<compile_context>
chip_gen: v7x
topology: tpu7x:2x2x1
jax: 0.10.2.dev20260603
libtpu: 0.0.44.dev20260713+nightly
codegen_flags: <defaults>
</compile_context>

<pallas_src>
import functools

import jax
import jax.numpy as jnp
from jax import lax
from jax.experimental import pallas as pl
from jax.experimental.pallas import tpu as pltpu
from jax.experimental.pallas import tpu_sc as plsc

N = 10000
E = 320000
D_IN = 128
D_HID = 64
NC = 2
NS = 16
NW = NC * NS
CH = 128
CPW = 80
NBUF = 2
NBLK = CPW // NBUF
EPAD = NW * CPW * CH
NPAD = 10240
H = NPAD // 2
RPT = NPAD // NS
RB2 = 1024


def _mm2_body(xlo_ref, xhi_ref, wl_ref, wr_ref, b_ref, y_ref, z_ref):
    xlo = xlo_ref[...]
    xhi = xhi_ref[...]
    wl = wl_ref[...]
    wr = wr_ref[...]
    b = b_ref[...]
    ylo = jnp.dot(xlo, wl, preferred_element_type=jnp.float32)
    yhi = jnp.dot(xhi, wl, preferred_element_type=jnp.float32)
    zlo = jnp.dot(xlo, wr, preferred_element_type=jnp.float32) + b
    zhi = jnp.dot(xhi, wr, preferred_element_type=jnp.float32) + b
    y_ref[...] = jnp.concatenate([ylo, yhi], axis=1)
    z_ref[...] = jnp.concatenate([zlo, zhi], axis=1)


def _phase_a(x, W1_l, W1_r, b1_2d):
    return pl.pallas_call(
        _mm2_body,
        grid=(H // RB2,),
        in_specs=[
            pl.BlockSpec((RB2, D_IN), lambda i: (i, 0)),
            pl.BlockSpec((RB2, D_IN), lambda i: (i + H // RB2, 0)),
            pl.BlockSpec((D_IN, D_HID), lambda i: (0, 0)),
            pl.BlockSpec((D_IN, D_HID), lambda i: (0, 0)),
            pl.BlockSpec((1, D_HID), lambda i: (0, 0)),
        ],
        out_specs=[
            pl.BlockSpec((RB2, 2 * D_HID), lambda i: (i, 0)),
            pl.BlockSpec((RB2, 2 * D_HID), lambda i: (i, 0)),
        ],
        out_shape=[
            jax.ShapeDtypeStruct((H, 2 * D_HID), jnp.float32),
            jax.ShapeDtypeStruct((H, 2 * D_HID), jnp.float32),
        ],
    )(x, x, W1_l, W1_r, b1_2d)


def _sc_agg64_body(ytab, srcm, dstm, agg_out, cnt_out,
                   idxs, idxd, rows, ones_v, zcnt, ytab_sh, agg_sh, cnt_sh,
                   gsem, ssem, csem):
    c = lax.axis_index("c")
    s = lax.axis_index("s")
    zero16 = jnp.zeros((16,), jnp.float32)
    one16 = jnp.ones((16,), jnp.float32)

    def zrow_body(i, carry):
        for j in range(D_HID // 16):
            rows[0, i, pl.ds(j * 16, 16)] = zero16
        return carry

    lax.fori_loop(0, CH, zrow_body, 0)

    def fill_body(i, carry):
        ones_v[pl.ds(i * 16, 16)] = one16
        return carry

    lax.fori_loop(0, CH // 16, fill_body, 0)

    def zcnt_body(i, carry):
        zcnt[pl.ds(i * 16, 16)] = zero16
        return carry

    lax.fori_loop(0, RPT // 16, zcnt_body, 0)

    base = (c * NS + s) * CPW
    pltpu.sync_copy(srcm.at[pl.ds(base, CPW)], idxs)
    pltpu.sync_copy(dstm.at[pl.ds(base, CPW)], idxd)

    pltpu.sync_copy(ytab.at[pl.ds(s * RPT, RPT)],
                    ytab_sh.at[pl.ds(s * RPT, RPT)])
    for k in range(RPT // CH):
        pltpu.sync_copy(rows.at[0], agg_sh.at[pl.ds(s * RPT + k * CH, CH)])
    pltpu.sync_copy(zcnt, cnt_sh.at[pl.ds(s * RPT, RPT)])
    plsc.subcore_barrier()

    for b in range(NBUF):
        pltpu.async_copy(ytab_sh.at[idxs.at[b]], rows.at[b], gsem.at[b])

    def blk(g, carry):
        for b in range(NBUF):
            i = g * NBUF + b
            pltpu.make_async_copy(ytab_sh.at[idxs.at[i]], rows.at[b],
                                  gsem.at[b]).wait()
            pltpu.async_copy(rows.at[b], agg_sh.at[idxd.at[i]], ssem.at[b],
                             add=True)
            pltpu.async_copy(ones_v, cnt_sh.at[idxd.at[i]], csem.at[b],
                             add=True)
        for b in range(NBUF):
            i = g * NBUF + b
            j = i + NBUF
            pltpu.make_async_copy(rows.at[b], agg_sh.at[idxd.at[i]],
                                  ssem.at[b]).wait()
            pltpu.make_async_copy(ones_v, cnt_sh.at[idxd.at[i]],
                                  csem.at[b]).wait()
            pltpu.async_copy(ytab_sh.at[idxs.at[j]], rows.at[b], gsem.at[b])
        return carry

    lax.fori_loop(0, NBLK - 1, blk, 0)

    g_last = NBLK - 1
    for b in range(NBUF):
        i = g_last * NBUF + b
        pltpu.make_async_copy(ytab_sh.at[idxs.at[i]], rows.at[b],
                              gsem.at[b]).wait()
        pltpu.async_copy(rows.at[b], agg_sh.at[idxd.at[i]], ssem.at[b],
                         add=True)
        pltpu.async_copy(ones_v, cnt_sh.at[idxd.at[i]], csem.at[b], add=True)
    for b in range(NBUF):
        i = g_last * NBUF + b
        pltpu.make_async_copy(rows.at[b], agg_sh.at[idxd.at[i]],
                              ssem.at[b]).wait()
        pltpu.make_async_copy(ones_v, cnt_sh.at[idxd.at[i]],
                              csem.at[b]).wait()
    plsc.subcore_barrier()

    pltpu.sync_copy(agg_sh.at[pl.ds(s * RPT, RPT)],
                    agg_out.at[c, pl.ds(s * RPT, RPT)])
    pltpu.sync_copy(cnt_sh.at[pl.ds(s * RPT, RPT)],
                    cnt_out.at[c, pl.ds(s * RPT, RPT)])


def _phase_b(ytab, srcm, dstm):
    mesh = plsc.VectorSubcoreMesh(core_axis_name="c", subcore_axis_name="s")
    f = functools.partial(
        pl.kernel,
        out_type=[
            jax.ShapeDtypeStruct((NC, NPAD, D_HID), jnp.float32),
            jax.ShapeDtypeStruct((NC, NPAD), jnp.float32),
        ],
        mesh=mesh,
        scratch_types=[
            pltpu.VMEM((CPW, CH), jnp.int32),
            pltpu.VMEM((CPW, CH), jnp.int32),
            pltpu.VMEM((NBUF, CH, D_HID), jnp.float32),
            pltpu.VMEM((CH,), jnp.float32),
            pltpu.VMEM((RPT,), jnp.float32),
            pltpu.VMEM_SHARED((NPAD, D_HID), jnp.float32),
            pltpu.VMEM_SHARED((NPAD, D_HID), jnp.float32),
            pltpu.VMEM_SHARED((NPAD,), jnp.float32),
            pltpu.SemaphoreType.DMA((NBUF,)),
            pltpu.SemaphoreType.DMA((NBUF,)),
            pltpu.SemaphoreType.DMA((NBUF,)),
        ],
        compiler_params=pltpu.CompilerParams(use_tc_tiling_on_sc=False),
    )(_sc_agg64_body)
    return f(ytab, srcm, dstm)


def _proj_body(aggp_ref, cnt_ref, z1_ref, wl_ref, wr_ref,
               y2_ref, z2_ref, rc_ref):
    ag = aggp_ref[0] + aggp_ref[1]
    alo = ag[:, :D_HID]
    ahi = ag[:, D_HID:]
    zlo = z1_ref[:, :D_HID]
    zhi = z1_ref[:, D_HID:]
    csum = jnp.maximum(cnt_ref[0] + cnt_ref[1], 1.0)
    rlo = 1.0 / csum[:, 0:1]
    rhi = 1.0 / csum[:, 1:2]
    hlo = jnp.maximum(alo * rlo + zlo, 0.0)
    hhi = jnp.maximum(ahi * rhi + zhi, 0.0)
    wl = wl_ref[...]
    wr = wr_ref[...]
    y2_ref[...] = jnp.concatenate(
        [jnp.dot(hlo, wl, preferred_element_type=jnp.float32),
         jnp.dot(hhi, wl, preferred_element_type=jnp.float32)], axis=1)
    z2_ref[...] = jnp.concatenate(
        [jnp.dot(hlo, wr, preferred_element_type=jnp.float32),
         jnp.dot(hhi, wr, preferred_element_type=jnp.float32)], axis=1)
    rc_ref[...] = jnp.concatenate([rlo, rhi], axis=1)


def _phase_c(aggv, cntp3, z1p, wl, wr):
    return pl.pallas_call(
        _proj_body,
        grid=(H // RB2,),
        in_specs=[
            pl.BlockSpec((NC, RB2, 2 * D_HID), lambda i: (0, i, 0)),
            pl.BlockSpec((NC, RB2, 2), lambda i: (0, i, 0)),
            pl.BlockSpec((RB2, 2 * D_HID), lambda i: (i, 0)),
            pl.BlockSpec((D_HID, 1), lambda i: (0, 0)),
            pl.BlockSpec((D_HID, 1), lambda i: (0, 0)),
        ],
        out_specs=[
            pl.BlockSpec((RB2, 2), lambda i: (i, 0)),
            pl.BlockSpec((RB2, 2), lambda i: (i, 0)),
            pl.BlockSpec((RB2, 2), lambda i: (i, 0)),
        ],
        out_shape=[
            jax.ShapeDtypeStruct((H, 2), jnp.float32),
            jax.ShapeDtypeStruct((H, 2), jnp.float32),
            jax.ShapeDtypeStruct((H, 2), jnp.float32),
        ],
    )(aggv, cntp3, z1p, wl, wr)


def _sc_agg1_body(y2v, srcm, dstm, agg_out,
                  idxs, idxd, vals, zcnt, y2_sh, agg2_sh, gsem, ssem):
    c = lax.axis_index("c")
    s = lax.axis_index("s")
    zero16 = jnp.zeros((16,), jnp.float32)

    def zcnt_body(i, carry):
        zcnt[pl.ds(i * 16, 16)] = zero16
        return carry

    lax.fori_loop(0, RPT // 16, zcnt_body, 0)

    base = (c * NS + s) * CPW
    pltpu.sync_copy(srcm.at[pl.ds(base, CPW)], idxs)
    pltpu.sync_copy(dstm.at[pl.ds(base, CPW)], idxd)

    pltpu.sync_copy(y2v.at[pl.ds(s * RPT, RPT)], y2_sh.at[pl.ds(s * RPT, RPT)])
    pltpu.sync_copy(zcnt, agg2_sh.at[pl.ds(s * RPT, RPT)])
    plsc.subcore_barrier()

    for b in range(NBUF):
        pltpu.async_copy(y2_sh.at[idxs.at[b]], vals.at[b], gsem.at[b])

    def blk(g, carry):
        for b in range(NBUF):
            i = g * NBUF + b
            pltpu.make_async_copy(y2_sh.at[idxs.at[i]], vals.at[b],
                                  gsem.at[b]).wait()
            pltpu.async_copy(vals.at[b], agg2_sh.at[idxd.at[i]], ssem.at[b],
                             add=True)
        for b in range(NBUF):
            i = g * NBUF + b
            pltpu.make_async_copy(vals.at[b], agg2_sh.at[idxd.at[i]],
                                  ssem.at[b]).wait()
            pltpu.async_copy(y2_sh.at[idxs.at[i + NBUF]], vals.at[b],
                             gsem.at[b])
        return carry

    lax.fori_loop(0, NBLK - 1, blk, 0)

    g_last = NBLK - 1
    for b in range(NBUF):
        i = g_last * NBUF + b
        pltpu.make_async_copy(y2_sh.at[idxs.at[i]], vals.at[b],
                              gsem.at[b]).wait()
        pltpu.async_copy(vals.at[b], agg2_sh.at[idxd.at[i]], ssem.at[b],
                         add=True)
    for b in range(NBUF):
        i = g_last * NBUF + b
        pltpu.make_async_copy(vals.at[b], agg2_sh.at[idxd.at[i]],
                              ssem.at[b]).wait()
    plsc.subcore_barrier()

    pltpu.sync_copy(agg2_sh.at[pl.ds(s * RPT, RPT)],
                    agg_out.at[c, pl.ds(s * RPT, RPT)])


def _phase_d(y2v, srcm, dstm):
    mesh = plsc.VectorSubcoreMesh(core_axis_name="c", subcore_axis_name="s")
    f = functools.partial(
        pl.kernel,
        out_type=jax.ShapeDtypeStruct((NC, NPAD), jnp.float32),
        mesh=mesh,
        scratch_types=[
            pltpu.VMEM((CPW, CH), jnp.int32),
            pltpu.VMEM((CPW, CH), jnp.int32),
            pltpu.VMEM((NBUF, CH), jnp.float32),
            pltpu.VMEM((RPT,), jnp.float32),
            pltpu.VMEM_SHARED((NPAD,), jnp.float32),
            pltpu.VMEM_SHARED((NPAD,), jnp.float32),
            pltpu.SemaphoreType.DMA((NBUF,)),
            pltpu.SemaphoreType.DMA((NBUF,)),
        ],
        compiler_params=pltpu.CompilerParams(use_tc_tiling_on_sc=False),
    )(_sc_agg1_body)
    return f(y2v, srcm, dstm)


NR = NPAD // 128


def _sig_body(a_ref, rc_ref, z2_ref, b2_ref, o_ref):
    t = ((a_ref[0] + a_ref[1]) * rc_ref[...] + z2_ref[...]
         + b2_ref[0, 0])
    o_ref[...] = 1.0 / (1.0 + jnp.exp(-t))


def _phase_e(agg2p, rcnt, z2, b2_2d):
    return pl.pallas_call(
        _sig_body,
        in_specs=[
            pl.BlockSpec((NC, NR, 128), lambda: (0, 0, 0)),
            pl.BlockSpec((NR, 128), lambda: (0, 0)),
            pl.BlockSpec((NR, 128), lambda: (0, 0)),
            pl.BlockSpec((1, 1), lambda: (0, 0)),
        ],
        out_specs=pl.BlockSpec((NR, 128), lambda: (0, 0)),
        out_shape=jax.ShapeDtypeStruct((NR, 128), jnp.float32),
    )(agg2p, rcnt, z2, b2_2d)


def kernel(x, edge_index, W1_l, b1, W1_r, W2_l, b2, W2_r):
    x = x.astype(jnp.float32)
    ei = edge_index.astype(jnp.int32)
    flat = jnp.arange(EPAD, dtype=jnp.int32)
    inb = flat < E
    src_n = jnp.where(inb, jnp.pad(ei[0], (0, EPAD - E)), flat % N)
    dst_n = jnp.where(inb, jnp.pad(ei[1], (0, EPAD - E)),
                      N + flat % (NPAD - N))
    src_k = jnp.where(src_n < H, 2 * src_n, 2 * src_n - (NPAD - 1))
    dst_k = jnp.where(dst_n < H, 2 * dst_n, 2 * dst_n - (NPAD - 1))
    srcm = src_k.reshape(NW * CPW, CH)
    dstm = dst_k.reshape(NW * CPW, CH)

    ytabp, z1p = _phase_a(x, W1_l, W1_r, b1[None, :])
    aggp, cntp = _phase_b(ytabp.reshape(NPAD, D_HID), srcm, dstm)
    y2p, z2p, rcp = _phase_c(aggp.reshape(NC, H, 2 * D_HID),
                             cntp.reshape(NC, H, 2), z1p, W2_l, W2_r)
    agg2p = _phase_d(y2p.reshape(NPAD), srcm, dstm)
    out = _phase_e(agg2p.reshape(NC, NR, 128), rcp.reshape(NR, 128),
                   z2p.reshape(NR, 128), b2[None, :])
    v = out.reshape(NPAD)
    return jnp.concatenate([v[0::2], v[1::2]])[:N].reshape(N, 1)

# --- scband reference (transcript-rebuilt; emitter-appended) ---
"""Pipeline reference for scband-graph-engine-17592186044988 (READ-ONLY COPY).

The authoritative reference and input builder live on the scoring server;
editing this copy changes nothing except your own understanding.
"""

import jax, jax.numpy as jnp
import numpy as np

N = 10000
E = 320000
D_IN = 128
D_HID = 64
D_OUT = 1

def _sage_conv(x, edge_index, W_l, b_l, W_r):
    # PyG SAGEConv: out = lin_l(mean_{j in N(i)} x_j) + lin_r(x_i)
    src = edge_index[0]
    dst = edge_index[1]
    msg = x[src]  # gather source-node features
    agg = jax.ops.segment_sum(msg, dst, num_segments=x.shape[0])
    cnt = jax.ops.segment_sum(jnp.ones((edge_index.shape[1],), dtype=x.dtype), dst, num_segments=x.shape[0])
    mean = agg / jnp.clip(cnt, 1.0, None)[:, None]
    return mean @ W_l + b_l + x @ W_r

def setup_inputs(seed: int = 0) -> dict:
    key = jax.random.key(seed)
    k1, k2, k3, k4, k5, k6, k7, k8 = jax.random.split(key, 8)
    x = jax.random.normal(k1, (N, D_IN), dtype=jnp.float32)
    edge_index = jax.random.randint(k2, (2, E), 0, N, dtype=jnp.int64)
    s1 = 1.0 / np.sqrt(D_IN)
    s2 = 1.0 / np.sqrt(D_HID)
    W1_l = jax.random.uniform(k3, (D_IN, D_HID), jnp.float32, -s1, s1)
    b1 = jax.random.uniform(k4, (D_HID,), jnp.float32, -s1, s1)
    W1_r = jax.random.uniform(k5, (D_IN, D_HID), jnp.float32, -s1, s1)
    W2_l = jax.random.uniform(k6, (D_HID, D_OUT), jnp.float32, -s2, s2)
    b2 = jax.random.uniform(k7, (D_OUT,), jnp.float32, -s2, s2)
    W2_r = jax.random.uniform(k8, (D_HID, D_OUT), jnp.float32, -s2, s2)
    return {"x": x, "edge_index": edge_index, "W1_l": W1_l, "b1": b1, "W1_r": W1_r, "W2_l": W2_l, "b2": b2, "W2_r": W2_r}

def reference(x, edge_index, W1_l, b1, W1_r, W2_l, b2, W2_r):
    h = jax.nn.relu(_sage_conv(x, edge_index, W1_l, b1, W1_r))
    out = jax.nn.sigmoid(_sage_conv(h, edge_index, W2_l, b2, W2_r))
    return out

if __name__ == "__main__":
    import jax
    _d = setup_inputs()
    print(jax.jit(kernel)(*tuple(_d.values())))

</pallas_src>

<mosaic_0001>
#map = affine_map<(d0, d1) -> (0)>
#map1 = affine_map<(d0, d1) -> (0, 0)>
module attributes {stable_mosaic.version = 14 : i64} {
  func.func @_sc_agg1_body(%arg0: i32, %arg1: i32, %arg2: memref<10240xf32, #tpu.memory_space<hbm>>, %arg3: memref<2560x128xi32, #tpu.memory_space<hbm>>, %arg4: memref<2560x128xi32, #tpu.memory_space<hbm>>, %arg5: memref<2x10240xf32, #tpu.memory_space<hbm>>, %arg6: memref<80x128xi32, #tpu.memory_space<vmem>>, %arg7: memref<80x128xi32, #tpu.memory_space<vmem>>, %arg8: memref<2x128xf32, #tpu.memory_space<vmem>>, %arg9: memref<640xf32, #tpu.memory_space<vmem>>, %arg10: memref<10240xf32, #tpu.memory_space<vmem_shared>>, %arg11: memref<10240xf32, #tpu.memory_space<vmem_shared>>, %arg12: memref<2x!tpu.dma_semaphore, #tpu.memory_space<semaphore_mem>>, %arg13: memref<2x!tpu.dma_semaphore, #tpu.memory_space<semaphore_mem>>) attributes {dimension_semantics = [#tpu.dimension_semantics<core_parallel>, #tpu.dimension_semantics<subcore_parallel>], iteration_bounds = array<i64: 2, 16>, scalar_prefetch = 0 : i64, scratch_operands = 8 : i64, tpu.core_type = #tpu.core_type<sc_vector_subcore>, window_params = [{transform_indices = #map}, {transform_indices = #map1}, {transform_indices = #map1}, {transform_indices = #map1}]} {
    %broadcast_in_dim3A = arith.constant 0.000000e+00 : f32
    %broadcast_in_dim3A_0 = vector.broadcast %broadcast_in_dim3A : f32 to vector<16xf32>
    %scan3A = arith.constant 0 : i32
    %scan3A_1 = arith.constant 0 : i32
    %scan3A_2 = arith.constant 40 : i32
    %scan3A_3 = arith.addi %scan3A_1, %scan3A_2 : i32
    %scan3A_4 = arith.constant 1 : i32
    scf.for %scan3A_128 = %scan3A_1 to %scan3A_3 step %scan3A_4  : i32 {
      %mul3A_129 = arith.constant 16 : i32
      %mul3A_130 = arith.muli %scan3A_128, %mul3A_129 : i32
      %swap3A = arith.index_cast %mul3A_130 : i32 to index
      %swap3A_131 = tpu.vector_load %arg9[%swap3A] {strides = array<i32>} : memref<640xf32, #tpu.memory_space<vmem>>, vector<16xf32>,
      %swap3A_132 = vector.shape_cast %swap3A_131 : vector<16xf32> to vector<16xf32>
      %swap3A_133 = vector.shape_cast %broadcast_in_dim3A_0 : vector<16xf32> to vector<16xf32>
      tpu.vector_store %arg9[%swap3A], %swap3A_133 {strides = array<i32>} : memref<640xf32, #tpu.memory_space<vmem>>, vector<16xf32>,
    }
    %scan3A_5 = arith.constant 40 : i32
    %mul3A = arith.constant 16 : i32
    %mul3A_6 = arith.muli %arg0, %mul3A : i32
    %add3A = arith.addi %mul3A_6, %arg1 : i32
    %mul3A_7 = arith.constant 80 : i32
    %mul3A_8 = arith.muli %add3A, %mul3A_7 : i32
    "tpu.region"() ({
      %run_scoped3A = tpu.sem_alloc : memref<!tpu.dma_semaphore, #tpu.memory_space<semaphore_mem>>
      %dma_start3A_128 = arith.constant 0 : i32
      %dma_start3A_129 = tpu.memref_slice %arg3[%mul3A_8, %dma_start3A_128] : memref<2560x128xi32, #tpu.memory_space<hbm>> -> memref<80x128xi32, #tpu.memory_space<hbm>>
      %dma_start3A_130 = arith.constant 0 : i32
      %dma_start3A_131 = tpu.memref_slice %arg3[%mul3A_8, %dma_start3A_130] : memref<2560x128xi32, #tpu.memory_space<hbm>> -> memref<80x128xi32, #tpu.memory_space<hbm>>
      tpu.enqueue_dma source(%dma_start3A_131 : memref<80x128xi32, #tpu.memory_space<hbm>>) target(%arg6 : memref<80x128xi32, #tpu.memory_space<vmem>>) target_semaphore(%run_scoped3A : memref<!tpu.dma_semaphore, #tpu.memory_space<semaphore_mem>>)
      %dma_wait3A_132 = arith.constant 0 : i32
      %dma_wait3A_133 = tpu.memref_slice %arg3[%mul3A_8, %dma_wait3A_132] : memref<2560x128xi32, #tpu.memory_space<hbm>> -> memref<80x128xi32, #tpu.memory_space<hbm>>
      %dma_wait3A_134 = arith.constant 0 : i32
      %dma_wait3A_135 = tpu.memref_slice %arg3[%mul3A_8, %dma_wait3A_134] : memref<2560x128xi32, #tpu.memory_space<hbm>> -> memref<80x128xi32, #tpu.memory_space<hbm>>
      tpu.wait_dma2 semaphore(%run_scoped3A : memref<!tpu.dma_semaphore, #tpu.memory_space<semaphore_mem>>) src(%dma_wait3A_135 : memref<80x128xi32, #tpu.memory_space<hbm>>) dst(%arg6 : memref<80x128xi32, #tpu.memory_space<vmem>>)
      tpu.yield
    }) : () -> ()
    "tpu.region"() ({
      %run_scoped3A = tpu.sem_alloc : memref<!tpu.dma_semaphore, #tpu.memory_space<semaphore_mem>>
      %dma_start3A_128 = arith.constant 0 : i32
      %dma_start3A_129 = tpu.memref_slice %arg4[%mul3A_8, %dma_start3A_128] : memref<2560x128xi32, #tpu.memory_space<hbm>> -> memref<80x128xi32, #tpu.memory_space<hbm>>
      %dma_start3A_130 = arith.constant 0 : i32
      %dma_start3A_131 = tpu.memref_slice %arg4[%mul3A_8, %dma_start3A_130] : memref<2560x128xi32, #tpu.memory_space<hbm>> -> memref<80x128xi32, #tpu.memory_space<hbm>>
      tpu.enqueue_dma source(%dma_start3A_131 : memref<80x128xi32, #tpu.memory_space<hbm>>) target(%arg7 : memref<80x128xi32, #tpu.memory_space<vmem>>) target_semaphore(%run_scoped3A : memref<!tpu.dma_semaphore, #tpu.memory_space<semaphore_mem>>)
      %dma_wait3A_132 = arith.constant 0 : i32
      %dma_wait3A_133 = tpu.memref_slice %arg4[%mul3A_8, %dma_wait3A_132] : memref<2560x128xi32, #tpu.memory_space<hbm>> -> memref<80x128xi32, #tpu.memory_space<hbm>>
      %dma_wait3A_134 = arith.constant 0 : i32
      %dma_wait3A_135 = tpu.memref_slice %arg4[%mul3A_8, %dma_wait3A_134] : memref<2560x128xi32, #tpu.memory_space<hbm>> -> memref<80x128xi32, #tpu.memory_space<hbm>>
      tpu.wait_dma2 semaphore(%run_scoped3A : memref<!tpu.dma_semaphore, #tpu.memory_space<semaphore_mem>>) src(%dma_wait3A_135 : memref<80x128xi32, #tpu.memory_space<hbm>>) dst(%arg7 : memref<80x128xi32, #tpu.memory_space<vmem>>)
      tpu.yield
    }) : () -> ()
    %mul3A_9 = arith.constant 640 : i32
    %mul3A_10 = arith.muli %arg1, %mul3A_9 : i32
    %mul3A_11 = arith.constant 640 : i32
    %mul3A_12 = arith.muli %arg1, %mul3A_11 : i32
    "tpu.region"() ({
      %run_scoped3A = tpu.sem_alloc : memref<!tpu.dma_semaphore, #tpu.memory_space<semaphore_mem>>
      %dma_start3A_128 = tpu.memref_slice %arg10[%mul3A_12] : memref<10240xf32, #tpu.memory_space<vmem_shared>> -> memref<640xf32, #tpu.memory_space<vmem_shared>>
      %dma_start3A_129 = tpu.memref_slice %arg2[%mul3A_10] : memref<10240xf32, #tpu.memory_space<hbm>> -> memref<640xf32, #tpu.memory_space<hbm>>
      tpu.enqueue_dma source(%dma_start3A_129 : memref<640xf32, #tpu.memory_space<hbm>>) target(%dma_start3A_128 : memref<640xf32, #tpu.memory_space<vmem_shared>>) target_semaphore(%run_scoped3A : memref<!tpu.dma_semaphore, #tpu.memory_space<semaphore_mem>>)
      %dma_wait3A_130 = tpu.memref_slice %arg10[%mul3A_12] : memref<10240xf32, #tpu.memory_space<vmem_shared>> -> memref<640xf32, #tpu.memory_space<vmem_shared>>
      %dma_wait3A_131 = tpu.memref_slice %arg2[%mul3A_10] : memref<10240xf32, #tpu.memory_space<hbm>> -> memref<640xf32, #tpu.memory_space<hbm>>
      tpu.wait_dma2 semaphore(%run_scoped3A : memref<!tpu.dma_semaphore, #tpu.memory_space<semaphore_mem>>) src(%dma_wait3A_131 : memref<640xf32, #tpu.memory_space<hbm>>) dst(%dma_wait3A_130 : memref<640xf32, #tpu.memory_space<vmem_shared>>)
      tpu.yield
    }) : () -> ()
    %mul3A_13 = arith.constant 640 : i32
    %mul3A_14 = arith.muli %arg1, %mul3A_13 : i32
    "tpu.region"() ({
      %run_scoped3A = tpu.sem_alloc : memref<!tpu.dma_semaphore, #tpu.memory_space<semaphore_mem>>
      %dma_start3A_128 = tpu.memref_slice %arg11[%mul3A_14] : memref<10240xf32, #tpu.memory_space<vmem_shared>> -> memref<640xf32, #tpu.memory_space<vmem_shared>>
      %dma_start3A_129 = tpu.memref_slice %arg11[%mul3A_14] : memref<10240xf32, #tpu.memory_space<vmem_shared>> -> memref<640xf32, #tpu.memory_space<vmem_shared>>
      tpu.enqueue_dma source(%arg9 : memref<640xf32, #tpu.memory_space<vmem>>) target(%dma_start3A_129 : memref<640xf32, #tpu.memory_space<vmem_shared>>) target_semaphore(%run_scoped3A : memref<!tpu.dma_semaphore, #tpu.memory_space<semaphore_mem>>)
      %dma_wait3A_130 = tpu.memref_slice %arg11[%mul3A_14] : memref<10240xf32, #tpu.memory_space<vmem_shared>> -> memref<640xf32, #tpu.memory_space<vmem_shared>>
      %dma_wait3A_131 = tpu.memref_slice %arg11[%mul3A_14] : memref<10240xf32, #tpu.memory_space<vmem_shared>> -> memref<640xf32, #tpu.memory_space<vmem_shared>>
      tpu.wait_dma2 semaphore(%run_scoped3A : memref<!tpu.dma_semaphore, #tpu.memory_space<semaphore_mem>>) src(%arg9 : memref<640xf32, #tpu.memory_space<vmem>>) dst(%dma_wait3A_131 : memref<640xf32, #tpu.memory_space<vmem_shared>>)
      tpu.yield
    }) : () -> ()
    %barrier3A = arith.constant 0 : index
    tpu.barrier barrier_id(%barrier3A)
    %dma_start3A = arith.constant 0 : i32
    %dma_start3A_15 = arith.constant 0 : i32
    %dma_start3A_16 = arith.constant 0 : i32
    %dma_start3A_17 = arith.constant 0 : i32
    %dma_start3A_18 = tpu.memref_slice %arg8[%dma_start3A_15, %dma_start3A_17] : memref<2x128xf32, #tpu.memory_space<vmem>> -> memref<1x128xf32, #tpu.memory_space<vmem>>
    %dma_start3A_19 = tpu.memref_squeeze %dma_start3A_18 : memref<1x128xf32, #tpu.memory_space<vmem>> -> memref<128xf32, #tpu.memory_space<vmem>>
    %dma_start3A_20 = arith.constant 0 : i32
    %dma_start3A_21 = tpu.memref_slice %arg6[%dma_start3A, %dma_start3A_20] : memref<80x128xi32, #tpu.memory_space<vmem>> -> memref<1x128xi32, #tpu.memory_space<vmem>>
    %dma_start3A_22 = tpu.memref_squeeze %dma_start3A_21 : memref<1x128xi32, #tpu.memory_space<vmem>> -> memref<128xi32, #tpu.memory_space<vmem>>
    %dma_start3A_23 = arith.constant 0 : i32
    %dma_start3A_24 = tpu.memref_slice %arg10[%dma_start3A_23] : memref<10240xf32, #tpu.memory_space<vmem_shared>> -> memref<10240xf32, #tpu.memory_space<vmem_shared>>
    %dma_start3A_25 = tpu.memref_slice %arg12[%dma_start3A_16] : memref<2x!tpu.dma_semaphore, #tpu.memory_space<semaphore_mem>> -> memref<1x!tpu.dma_semaphore, #tpu.memory_space<semaphore_mem>>
    %dma_start3A_26 = tpu.memref_squeeze %dma_start3A_25 : memref<1x!tpu.dma_semaphore, #tpu.memory_space<semaphore_mem>> -> memref<!tpu.dma_semaphore, #tpu.memory_space<semaphore_mem>>
    tpu.enqueue_indirect_dma source(%dma_start3A_24 : memref<10240xf32, #tpu.memory_space<vmem_shared>>) target(%dma_start3A_19 : memref<128xf32, #tpu.memory_space<vmem>>) offsets(%dma_start3A_22 : memref<128xi32, #tpu.memory_space<vmem>>) semaphore(%dma_start3A_26 : memref<!tpu.dma_semaphore, #tpu.memory_space<semaphore_mem>>)
    %dma_start3A_27 = arith.constant 1 : i32
    %dma_start3A_28 = arith.constant 1 : i32
    %dma_start3A_29 = arith.constant 1 : i32
    %dma_start3A_30 = arith.constant 0 : i32
    %dma_start3A_31 = tpu.memref_slice %arg8[%dma_start3A_28, %dma_start3A_30] : memref<2x128xf32, #tpu.memory_space<vmem>> -> memref<1x128xf32, #tpu.memory_space<vmem>>
    %dma_start3A_32 = tpu.memref_squeeze %dma_start3A_31 : memref<1x128xf32, #tpu.memory_space<vmem>> -> memref<128xf32, #tpu.memory_space<vmem>>
    %dma_start3A_33 = arith.constant 0 : i32
    %dma_start3A_34 = tpu.memref_slice %arg6[%dma_start3A_27, %dma_start3A_33] : memref<80x128xi32, #tpu.memory_space<vmem>> -> memref<1x128xi32, #tpu.memory_space<vmem>>
    %dma_start3A_35 = tpu.memref_squeeze %dma_start3A_34 : memref<1x128xi32, #tpu.memory_space<vmem>> -> memref<128xi32, #tpu.memory_space<vmem>>
    %dma_start3A_36 = arith.constant 0 : i32
    %dma_start3A_37 = tpu.memref_slice %arg10[%dma_start3A_36] : memref<10240xf32, #tpu.memory_space<vmem_shared>> -> memref<10240xf32, #tpu.memory_space<vmem_shared>>
    %dma_start3A_38 = tpu.memref_slice %arg12[%dma_start3A_29] : memref<2x!tpu.dma_semaphore, #tpu.memory_space<semaphore_mem>> -> memref<1x!tpu.dma_semaphore, #tpu.memory_space<semaphore_mem>>
    %dma_start3A_39 = tpu.memref_squeeze %dma_start3A_38 : memref<1x!tpu.dma_semaphore, #tpu.memory_space<semaphore_mem>> -> memref<!tpu.dma_semaphore, #tpu.memory_space<semaphore_mem>>
    tpu.enqueue_indirect_dma source(%dma_start3A_37 : memref<10240xf32, #tpu.memory_space<vmem_shared>>) target(%dma_start3A_32 : memref<128xf32, #tpu.memory_space<vmem>>) offsets(%dma_start3A_35 : memref<128xi32, #tpu.memory_space<vmem>>) semaphore(%dma_start3A_39 : memref<!tpu.dma_semaphore, #tpu.memory_space<semaphore_mem>>)
    %scan3A_40 = arith.constant 0 : i32
    %scan3A_41 = arith.constant 0 : i32
    %scan3A_42 = arith.constant 39 : i32
    %scan3A_43 = arith.addi %scan3A_41, %scan3A_42 : i32
    %scan3A_44 = arith.constant 1 : i32
    scf.for %scan3A_128 = %scan3A_41 to %scan3A_43 step %scan3A_44  : i32 {
      %mul3A_129 = arith.constant 2 : i32
      %mul3A_130 = arith.muli %scan3A_128, %mul3A_129 : i32
      %add3A_131 = arith.constant 0 : i32
      %add3A_132 = arith.addi %mul3A_130, %add3A_131 : i32
      %dma_wait3A_133 = arith.constant 0 : i32
      %dma_wait3A_134 = arith.constant 0 : i32
      %dma_wait3A_135 = arith.constant 0 : i32
      %dma_wait3A_136 = tpu.memref_slice %arg8[%dma_wait3A_133, %dma_wait3A_135] : memref<2x128xf32, #tpu.memory_space<vmem>> -> memref<1x128xf32, #tpu.memory_space<vmem>>
      %dma_wait3A_137 = tpu.memref_squeeze %dma_wait3A_136 : memref<1x128xf32, #tpu.memory_space<vmem>> -> memref<128xf32, #tpu.memory_space<vmem>>
      %dma_wait3A_138 = arith.constant 0 : i32
      %dma_wait3A_139 = tpu.memref_slice %arg6[%add3A_132, %dma_wait3A_138] : memref<80x128xi32, #tpu.memory_space<vmem>> -> memref<1x128xi32, #tpu.memory_space<vmem>>
      %dma_wait3A_140 = tpu.memref_squeeze %dma_wait3A_139 : memref<1x128xi32, #tpu.memory_space<vmem>> -> memref<128xi32, #tpu.memory_space<vmem>>
      %dma_wait3A_141 = arith.constant 0 : i32
      %dma_wait3A_142 = tpu.memref_slice %arg10[%dma_wait3A_141] : memref<10240xf32, #tpu.memory_space<vmem_shared>> -> memref<10240xf32, #tpu.memory_space<vmem_shared>>
      %dma_wait3A_143 = tpu.memref_slice %arg12[%dma_wait3A_134] : memref<2x!tpu.dma_semaphore, #tpu.memory_space<semaphore_mem>> -> memref<1x!tpu.dma_semaphore, #tpu.memory_space<semaphore_mem>>
      %dma_wait3A_144 = tpu.memref_squeeze %dma_wait3A_143 : memref<1x!tpu.dma_semaphore, #tpu.memory_space<semaphore_mem>> -> memref<!tpu.dma_semaphore, #tpu.memory_space<semaphore_mem>>
      tpu.wait_indirect_dma semaphore(%dma_wait3A_144 : memref<!tpu.dma_semaphore, #tpu.memory_space<semaphore_mem>>) src(%dma_wait3A_142 : memref<10240xf32, #tpu.memory_space<vmem_shared>>) dst(%dma_wait3A_137 : memref<128xf32, #tpu.memory_space<vmem>>)
      %dma_start3A_145 = arith.constant 0 : i32
      %dma_start3A_146 = arith.constant 0 : i32
      %dma_start3A_147 = arith.constant 0 : i32
      %dma_start3A_148 = tpu.memref_slice %arg8[%dma_start3A_145, %dma_start3A_147] : memref<2x128xf32, #tpu.memory_space<vmem>> -> memref<1x128xf32, #tpu.memory_space<vmem>>
      %dma_start3A_149 = tpu.memref_squeeze %dma_start3A_148 : memref<1x128xf32, #tpu.memory_space<vmem>> -> memref<128xf32, #tpu.memory_space<vmem>>
      %dma_start3A_150 = arith.constant 0 : i32
      %dma_start3A_151 = tpu.memref_slice %arg7[%add3A_132, %dma_start3A_150] : memref<80x128xi32, #tpu.memory_space<vmem>> -> memref<1x128xi32, #tpu.memory_space<vmem>>
      %dma_start3A_152 = tpu.memref_squeeze %dma_start3A_151 : memref<1x128xi32, #tpu.memory_space<vmem>> -> memref<128xi32, #tpu.memory_space<vmem>>
      %dma_start3A_153 = arith.constant 0 : i32
      %dma_start3A_154 = tpu.memref_slice %arg11[%dma_start3A_153] : memref<10240xf32, #tpu.memory_space<vmem_shared>> -> memref<10240xf32, #tpu.memory_space<vmem_shared>>
      %dma_start3A_155 = tpu.memref_slice %arg13[%dma_start3A_146] : memref<2x!tpu.dma_semaphore, #tpu.memory_space<semaphore_mem>> -> memref<1x!tpu.dma_semaphore, #tpu.memory_space<semaphore_mem>>
      %dma_start3A_156 = tpu.memref_squeeze %dma_start3A_155 : memref<1x!tpu.dma_semaphore, #tpu.memory_space<semaphore_mem>> -> memref<!tpu.dma_semaphore, #tpu.memory_space<semaphore_mem>>
      tpu.enqueue_indirect_dma source(%dma_start3A_149 : memref<128xf32, #tpu.memory_space<vmem>>) target(%dma_start3A_154 : memref<10240xf32, #tpu.memory_space<vmem_shared>>) offsets(%dma_start3A_152 : memref<128xi32, #tpu.memory_space<vmem>>) semaphore(%dma_start3A_156 : memref<!tpu.dma_semaphore, #tpu.memory_space<semaphore_mem>>) {add = true}
      %mul3A_157 = arith.constant 2 : i32
      %mul3A_158 = arith.muli %scan3A_128, %mul3A_157 : i32
      %add3A_159 = arith.constant 1 : i32
      %add3A_160 = arith.addi %mul3A_158, %add3A_159 : i32
      %dma_wait3A_161 = arith.constant 1 : i32
      %dma_wait3A_162 = arith.constant 1 : i32
      %dma_wait3A_163 = arith.constant 0 : i32
      %dma_wait3A_164 = tpu.memref_slice %arg8[%dma_wait3A_161, %dma_wait3A_163] : memref<2x128xf32, #tpu.memory_space<vmem>> -> memref<1x128xf32, #tpu.memory_space<vmem>>
      %dma_wait3A_165 = tpu.memref_squeeze %dma_wait3A_164 : memref<1x128xf32, #tpu.memory_space<vmem>> -> memref<128xf32, #tpu.memory_space<vmem>>
      %dma_wait3A_166 = arith.constant 0 : i32
      %dma_wait3A_167 = tpu.memref_slice %arg6[%add3A_160, %dma_wait3A_166] : memref<80x128xi32, #tpu.memory_space<vmem>> -> memref<1x128xi32, #tpu.memory_space<vmem>>
      %dma_wait3A_168 = tpu.memref_squeeze %dma_wait3A_167 : memref<1x128xi32, #tpu.memory_space<vmem>> -> memref<128xi32, #tpu.memory_space<vmem>>
      %dma_wait3A_169 = arith.constant 0 : i32
      %dma_wait3A_170 = tpu.memref_slice %arg10[%dma_wait3A_169] : memref<10240xf32, #tpu.memory_space<vmem_shared>> -> memref<10240xf32, #tpu.memory_space<vmem_shared>>
      %dma_wait3A_171 = tpu.memref_slice %arg12[%dma_wait3A_162] : memref<2x!tpu.dma_semaphore, #tpu.memory_space<semaphore_mem>> -> memref<1x!tpu.dma_semaphore, #tpu.memory_space<semaphore_mem>>
      %dma_wait3A_172 = tpu.memref_squeeze %dma_wait3A_171 : memref<1x!tpu.dma_semaphore, #tpu.memory_space<semaphore_mem>> -> memref<!tpu.dma_semaphore, #tpu.memory_space<semaphore_mem>>
      tpu.wait_indirect_dma semaphore(%dma_wait3A_172 : memref<!tpu.dma_semaphore, #tpu.memory_space<semaphore_mem>>) src(%dma_wait3A_170 : memref<10240xf32, #tpu.memory_space<vmem_shared>>) dst(%dma_wait3A_165 : memref<128xf32, #tpu.memory_space<vmem>>)
      %dma_start3A_173 = arith.constant 1 : i32
      %dma_start3A_174 = arith.constant 1 : i32
      %dma_start3A_175 = arith.constant 0 : i32
      %dma_start3A_176 = tpu.memref_slice %arg8[%dma_start3A_173, %dma_start3A_175] : memref<2x128xf32, #tpu.memory_space<vmem>> -> memref<1x128xf32, #tpu.memory_space<vmem>>
      %dma_start3A_177 = tpu.memref_squeeze %dma_start3A_176 : memref<1x128xf32, #tpu.memory_space<vmem>> -> memref<128xf32, #tpu.memory_space<vmem>>
      %dma_start3A_178 = arith.constant 0 : i32
      %dma_start3A_179 = tpu.memref_slice %arg7[%add3A_160, %dma_start3A_178] : memref<80x128xi32, #tpu.memory_space<vmem>> -> memref<1x128xi32, #tpu.memory_space<vmem>>
      %dma_start3A_180 = tpu.memref_squeeze %dma_start3A_179 : memref<1x128xi32, #tpu.memory_space<vmem>> -> memref<128xi32, #tpu.memory_space<vmem>>
      %dma_start3A_181 = arith.constant 0 : i32
      %dma_start3A_182 = tpu.memref_slice %arg11[%dma_start3A_181] : memref<10240xf32, #tpu.memory_space<vmem_shared>> -> memref<10240xf32, #tpu.memory_space<vmem_shared>>
      %dma_start3A_183 = tpu.memref_slice %arg13[%dma_start3A_174] : memref<2x!tpu.dma_semaphore, #tpu.memory_space<semaphore_mem>> -> memref<1x!tpu.dma_semaphore, #tpu.memory_space<semaphore_mem>>
      %dma_start3A_184 = tpu.memref_squeeze %dma_start3A_183 : memref<1x!tpu.dma_semaphore, #tpu.memory_space<semaphore_mem>> -> memref<!tpu.dma_semaphore, #tpu.memory_space<semaphore_mem>>
      tpu.enqueue_indirect_dma source(%dma_start3A_177 : memref<128xf32, #tpu.memory_space<vmem>>) target(%dma_start3A_182 : memref<10240xf32, #tpu.memory_space<vmem_shared>>) offsets(%dma_start3A_180 : memref<128xi32, #tpu.memory_space<vmem>>) semaphore(%dma_start3A_184 : memref<!tpu.dma_semaphore, #tpu.memory_space<semaphore_mem>>) {add = true}
      %mul3A_185 = arith.constant 2 : i32
      %mul3A_186 = arith.muli %scan3A_128, %mul3A_185 : i32
      %add3A_187 = arith.constant 0 : i32
      %add3A_188 = arith.addi %mul3A_186, %add3A_187 : i32
      %dma_wait3A_189 = arith.constant 0 : i32
      %dma_wait3A_190 = arith.constant 0 : i32
      %dma_wait3A_191 = arith.constant 0 : i32
      %dma_wait3A_192 = tpu.memref_slice %arg8[%dma_wait3A_189, %dma_wait3A_191] : memref<2x128xf32, #tpu.memory_space<vmem>> -> memref<1x128xf32, #tpu.memory_space<vmem>>
      %dma_wait3A_193 = tpu.memref_squeeze %dma_wait3A_192 : memref<1x128xf32, #tpu.memory_space<vmem>> -> memref<128xf32, #tpu.memory_space<vmem>>
      %dma_wait3A_194 = arith.constant 0 : i32
      %dma_wait3A_195 = tpu.memref_slice %arg7[%add3A_188, %dma_wait3A_194] : memref<80x128xi32, #tpu.memory_space<vmem>> -> memref<1x128xi32, #tpu.memory_space<vmem>>
      %dma_wait3A_196 = tpu.memref_squeeze %dma_wait3A_195 : memref<1x128xi32, #tpu.memory_space<vmem>> -> memref<128xi32, #tpu.memory_space<vmem>>
      %dma_wait3A_197 = arith.constant 0 : i32
      %dma_wait3A_198 = tpu.memref_slice %arg11[%dma_wait3A_197] : memref<10240xf32, #tpu.memory_space<vmem_shared>> -> memref<10240xf32, #tpu.memory_space<vmem_shared>>
      %dma_wait3A_199 = tpu.memref_slice %arg13[%dma_wait3A_190] : memref<2x!tpu.dma_semaphore, #tpu.memory_space<semaphore_mem>> -> memref<1x!tpu.dma_semaphore, #tpu.memory_space<semaphore_mem>>
      %dma_wait3A_200 = tpu.memref_squeeze %dma_wait3A_199 : memref<1x!tpu.dma_semaphore, #tpu.memory_space<semaphore_mem>> -> memref<!tpu.dma_semaphore, #tpu.memory_space<semaphore_mem>>
      tpu.wait_indirect_dma semaphore(%dma_wait3A_200 : memref<!tpu.dma_semaphore, #tpu.memory_space<semaphore_mem>>) src(%dma_wait3A_193 : memref<128xf32, #tpu.memory_space<vmem>>) dst(%dma_wait3A_198 : memref<10240xf32, #tpu.memory_space<vmem_shared>>)
      %add3A_201 = arith.constant 2 : i32
      %add3A_202 = arith.addi %add3A_188, %add3A_201 : i32
      %dma_start3A_203 = arith.constant 0 : i32
      %dma_start3A_204 = arith.constant 0 : i32
      %dma_start3A_205 = arith.constant 0 : i32
      %dma_start3A_206 = tpu.memref_slice %arg8[%dma_start3A_203, %dma_start3A_205] : memref<2x128xf32, #tpu.memory_space<vmem>> -> memref<1x128xf32, #tpu.memory_space<vmem>>
      %dma_start3A_207 = tpu.memref_squeeze %dma_start3A_206 : memref<1x128xf32, #tpu.memory_space<vmem>> -> memref<128xf32, #tpu.memory_space<vmem>>
      %dma_start3A_208 = arith.constant 0 : i32
      %dma_start3A_209 = tpu.memref_slice %arg6[%add3A_202, %dma_start3A_208] : memref<80x128xi32, #tpu.memory_space<vmem>> -> memref<1x128xi32, #tpu.memory_space<vmem>>
      %dma_start3A_210 = tpu.memref_squeeze %dma_start3A_209 : memref<1x128xi32, #tpu.memory_space<vmem>> -> memref<128xi32, #tpu.memory_space<vmem>>
      %dma_start3A_211 = arith.constant 0 : i32
      %dma_start3A_212 = tpu.memref_slice %arg10[%dma_start3A_211] : memref<10240xf32, #tpu.memory_space<vmem_shared>> -> memref<10240xf32, #tpu.memory_space<vmem_shared>>
      %dma_start3A_213 = tpu.memref_slice %arg12[%dma_start3A_204] : memref<2x!tpu.dma_semaphore, #tpu.memory_space<semaphore_mem>> -> memref<1x!tpu.dma_semaphore, #tpu.memory_space<semaphore_mem>>
      %dma_start3A_214 = tpu.memref_squeeze %dma_start3A_213 : memref<1x!tpu.dma_semaphore, #tpu.memory_space<semaphore_mem>> -> memref<!tpu.dma_semaphore, #tpu.memory_space<semaphore_mem>>
      tpu.enqueue_indirect_dma source(%dma_start3A_212 : memref<10240xf32, #tpu.memory_space<vmem_shared>>) target(%dma_start3A_207 : memref<128xf32, #tpu.memory_space<vmem>>) offsets(%dma_start3A_210 : memref<128xi32, #tpu.memory_space<vmem>>) semaphore(%dma_start3A_214 : memref<!tpu.dma_semaphore, #tpu.memory_space<semaphore_mem>>)
      %mul3A_215 = arith.constant 2 : i32
      %mul3A_216 = arith.muli %scan3A_128, %mul3A_215 : i32
      %add3A_217 = arith.constant 1 : i32
      %add3A_218 = arith.addi %mul3A_216, %add3A_217 : i32
      %dma_wait3A_219 = arith.constant 1 : i32
      %dma_wait3A_220 = arith.constant 1 : i32
      %dma_wait3A_221 = arith.constant 0 : i32
      %dma_wait3A_222 = tpu.memref_slice %arg8[%dma_wait3A_219, %dma_wait3A_221] : memref<2x128xf32, #tpu.memory_space<vmem>> -> memref<1x128xf32, #tpu.memory_space<vmem>>
      %dma_wait3A_223 = tpu.memref_squeeze %dma_wait3A_222 : memref<1x128xf32, #tpu.memory_space<vmem>> -> memref<128xf32, #tpu.memory_space<vmem>>
      %dma_wait3A_224 = arith.constant 0 : i32
      %dma_wait3A_225 = tpu.memref_slice %arg7[%add3A_218, %dma_wait3A_224] : memref<80x128xi32, #tpu.memory_space<vmem>> -> memref<1x128xi32, #tpu.memory_space<vmem>>
      %dma_wait3A_226 = tpu.memref_squeeze %dma_wait3A_225 : memref<1x128xi32, #tpu.memory_space<vmem>> -> memref<128xi32, #tpu.memory_space<vmem>>
      %dma_wait3A_227 = arith.constant 0 : i32
      %dma_wait3A_228 = tpu.memref_slice %arg11[%dma_wait3A_227] : memref<10240xf32, #tpu.memory_space<vmem_shared>> -> memref<10240xf32, #tpu.memory_space<vmem_shared>>
      %dma_wait3A_229 = tpu.memref_slice %arg13[%dma_wait3A_220] : memref<2x!tpu.dma_semaphore, #tpu.memory_space<semaphore_mem>> -> memref<1x!tpu.dma_semaphore, #tpu.memory_space<semaphore_mem>>
      %dma_wait3A_230 = tpu.memref_squeeze %dma_wait3A_229 : memref<1x!tpu.dma_semaphore, #tpu.memory_space<semaphore_mem>> -> memref<!tpu.dma_semaphore, #tpu.memory_space<semaphore_mem>>
      tpu.wait_indirect_dma semaphore(%dma_wait3A_230 : memref<!tpu.dma_semaphore, #tpu.memory_space<semaphore_mem>>) src(%dma_wait3A_223 : memref<128xf32, #tpu.memory_space<vmem>>) dst(%dma_wait3A_228 : memref<10240xf32, #tpu.memory_space<vmem_shared>>)
      %add3A_231 = arith.constant 2 : i32
      %add3A_232 = arith.addi %add3A_218, %add3A_231 : i32
      %dma_start3A_233 = arith.constant 1 : i32
      %dma_start3A_234 = arith.constant 1 : i32
      %dma_start3A_235 = arith.constant 0 : i32
      %dma_start3A_236 = tpu.memref_slice %arg8[%dma_start3A_233, %dma_start3A_235] : memref<2x128xf32, #tpu.memory_space<vmem>> -> memref<1x128xf32, #tpu.memory_space<vmem>>
      %dma_start3A_237 = tpu.memref_squeeze %dma_start3A_236 : memref<1x128xf32, #tpu.memory_space<vmem>> -> memref<128xf32, #tpu.memory_space<vmem>>
      %dma_start3A_238 = arith.constant 0 : i32
      %dma_start3A_239 = tpu.memref_slice %arg6[%add3A_232, %dma_start3A_238] : memref<80x128xi32, #tpu.memory_space<vmem>> -> memref<1x128xi32, #tpu.memory_space<vmem>>
      %dma_start3A_240 = tpu.memref_squeeze %dma_start3A_239 : memref<1x128xi32, #tpu.memory_space<vmem>> -> memref<128xi32, #tpu.memory_space<vmem>>
      %dma_start3A_241 = arith.constant 0 : i32
      %dma_start3A_242 = tpu.memref_slice %arg10[%dma_start3A_241] : memref<10240xf32, #tpu.memory_space<vmem_shared>> -> memref<10240xf32, #tpu.memory_space<vmem_shared>>
      %dma_start3A_243 = tpu.memref_slice %arg12[%dma_start3A_234] : memref<2x!tpu.dma_semaphore, #tpu.memory_space<semaphore_mem>> -> memref<1x!tpu.dma_semaphore, #tpu.memory_space<semaphore_mem>>
      %dma_start3A_244 = tpu.memref_squeeze %dma_start3A_243 : memref<1x!tpu.dma_semaphore, #tpu.memory_space<semaphore_mem>> -> memref<!tpu.dma_semaphore, #tpu.memory_space<semaphore_mem>>
      tpu.enqueue_indirect_dma source(%dma_start3A_242 : memref<10240xf32, #tpu.memory_space<vmem_shared>>) target(%dma_start3A_237 : memref<128xf32, #tpu.memory_space<vmem>>) offsets(%dma_start3A_240 : memref<128xi32, #tpu.memory_space<vmem>>) semaphore(%dma_start3A_244 : memref<!tpu.dma_semaphore, #tpu.memory_space<semaphore_mem>>)
    }
    %scan3A_45 = arith.constant 39 : i32
    %dma_wait3A = arith.constant 78 : i32
    %dma_wait3A_46 = arith.constant 0 : i32
    %dma_wait3A_47 = arith.constant 0 : i32
    %dma_wait3A_48 = arith.constant 0 : i32
    %dma_wait3A_49 = tpu.memref_slice %arg8[%dma_wait3A_46, %dma_wait3A_48] : memref<2x128xf32, #tpu.memory_space<vmem>> -> memref<1x128xf32, #tpu.memory_space<vmem>>
    %dma_wait3A_50 = tpu.memref_squeeze %dma_wait3A_49 : memref<1x128xf32, #tpu.memory_space<vmem>> -> memref<128xf32, #tpu.memory_space<vmem>>
    %dma_wait3A_51 = arith.constant 0 : i32
    %dma_wait3A_52 = tpu.memref_slice %arg6[%dma_wait3A, %dma_wait3A_51] : memref<80x128xi32, #tpu.memory_space<vmem>> -> memref<1x128xi32, #tpu.memory_space<vmem>>
    %dma_wait3A_53 = tpu.memref_squeeze %dma_wait3A_52 : memref<1x128xi32, #tpu.memory_space<vmem>> -> memref<128xi32, #tpu.memory_space<vmem>>
    %dma_wait3A_54 = arith.constant 0 : i32
    %dma_wait3A_55 = tpu.memref_slice %arg10[%dma_wait3A_54] : memref<10240xf32, #tpu.memory_space<vmem_shared>> -> memref<10240xf32, #tpu.memory_space<vmem_shared>>
    %dma_wait3A_56 = tpu.memref_slice %arg12[%dma_wait3A_47] : memref<2x!tpu.dma_semaphore, #tpu.memory_space<semaphore_mem>> -> memref<1x!tpu.dma_semaphore, #tpu.memory_space<semaphore_mem>>
    %dma_wait3A_57 = tpu.memref_squeeze %dma_wait3A_56 : memref<1x!tpu.dma_semaphore, #tpu.memory_space<semaphore_mem>> -> memref<!tpu.dma_semaphore, #tpu.memory_space<semaphore_mem>>
    tpu.wait_indirect_dma semaphore(%dma_wait3A_57 : memref<!tpu.dma_semaphore, #tpu.memory_space<semaphore_mem>>) src(%dma_wait3A_55 : memref<10240xf32, #tpu.memory_space<vmem_shared>>) dst(%dma_wait3A_50 : memref<128xf32, #tpu.memory_space<vmem>>)
    %dma_start3A_58 = arith.constant 0 : i32
    %dma_start3A_59 = arith.constant 78 : i32
    %dma_start3A_60 = arith.constant 0 : i32
    %dma_start3A_61 = arith.constant 0 : i32
    %dma_start3A_62 = tpu.memref_slice %arg8[%dma_start3A_58, %dma_start3A_61] : memref<2x128xf32, #tpu.memory_space<vmem>> -> memref<1x128xf32, #tpu.memory_space<vmem>>
    %dma_start3A_63 = tpu.memref_squeeze %dma_start3A_62 : memref<1x128xf32, #tpu.memory_space<vmem>> -> memref<128xf32, #tpu.memory_space<vmem>>
    %dma_start3A_64 = arith.constant 0 : i32
    %dma_start3A_65 = tpu.memref_slice %arg7[%dma_start3A_59, %dma_start3A_64] : memref<80x128xi32, #tpu.memory_space<vmem>> -> memref<1x128xi32, #tpu.memory_space<vmem>>
    %dma_start3A_66 = tpu.memref_squeeze %dma_start3A_65 : memref<1x128xi32, #tpu.memory_space<vmem>> -> memref<128xi32, #tpu.memory_space<vmem>>
    %dma_start3A_67 = arith.constant 0 : i32
    %dma_start3A_68 = tpu.memref_slice %arg11[%dma_start3A_67] : memref<10240xf32, #tpu.memory_space<vmem_shared>> -> memref<10240xf32, #tpu.memory_space<vmem_shared>>
    %dma_start3A_69 = tpu.memref_slice %arg13[%dma_start3A_60] : memref<2x!tpu.dma_semaphore, #tpu.memory_space<semaphore_mem>> -> memref<1x!tpu.dma_semaphore, #tpu.memory_space<semaphore_mem>>
    %dma_start3A_70 = tpu.memref_squeeze %dma_start3A_69 : memref<1x!tpu.dma_semaphore, #tpu.memory_space<semaphore_mem>> -> memref<!tpu.dma_semaphore, #tpu.memory_space<semaphore_mem>>
    tpu.enqueue_indirect_dma source(%dma_start3A_63 : memref<128xf32, #tpu.memory_space<vmem>>) target(%dma_start3A_68 : memref<10240xf32, #tpu.memory_space<vmem_shared>>) offsets(%dma_start3A_66 : memref<128xi32, #tpu.memory_space<vmem>>) semaphore(%dma_start3A_70 : memref<!tpu.dma_semaphore, #tpu.memory_space<semaphore_mem>>) {add = true}
    %dma_wait3A_71 = arith.constant 79 : i32
    %dma_wait3A_72 = arith.constant 1 : i32
    %dma_wait3A_73 = arith.constant 1 : i32
    %dma_wait3A_74 = arith.constant 0 : i32
    %dma_wait3A_75 = tpu.memref_slice %arg8[%dma_wait3A_72, %dma_wait3A_74] : memref<2x128xf32, #tpu.memory_space<vmem>> -> memref<1x128xf32, #tpu.memory_space<vmem>>
    %dma_wait3A_76 = tpu.memref_squeeze %dma_wait3A_75 : memref<1x128xf32, #tpu.memory_space<vmem>> -> memref<128xf32, #tpu.memory_space<vmem>>
    %dma_wait3A_77 = arith.constant 0 : i32
    %dma_wait3A_78 = tpu.memref_slice %arg6[%dma_wait3A_71, %dma_wait3A_77] : memref<80x128xi32, #tpu.memory_space<vmem>> -> memref<1x128xi32, #tpu.memory_space<vmem>>
    %dma_wait3A_79 = tpu.memref_squeeze %dma_wait3A_78 : memref<1x128xi32, #tpu.memory_space<vmem>> -> memref<128xi32, #tpu.memory_space<vmem>>
    %dma_wait3A_80 = arith.constant 0 : i32
    %dma_wait3A_81 = tpu.memref_slice %arg10[%dma_wait3A_80] : memref<10240xf32, #tpu.memory_space<vmem_shared>> -> memref<10240xf32, #tpu.memory_space<vmem_shared>>
    %dma_wait3A_82 = tpu.memref_slice %arg12[%dma_wait3A_73] : memref<2x!tpu.dma_semaphore, #tpu.memory_space<semaphore_mem>> -> memref<1x!tpu.dma_semaphore, #tpu.memory_space<semaphore_mem>>
    %dma_wait3A_83 = tpu.memref_squeeze %dma_wait3A_82 : memref<1x!tpu.dma_semaphore, #tpu.memory_space<semaphore_mem>> -> memref<!tpu.dma_semaphore, #tpu.memory_space<semaphore_mem>>
    tpu.wait_indirect_dma semaphore(%dma_wait3A_83 : memref<!tpu.dma_semaphore, #tpu.memory_space<semaphore_mem>>) src(%dma_wait3A_81 : memref<10240xf32, #tpu.memory_space<vmem_shared>>) dst(%dma_wait3A_76 : memref<128xf32, #tpu.memory_space<vmem>>)
    %dma_start3A_84 = arith.constant 1 : i32
    %dma_start3A_85 = arith.constant 79 : i32
    %dma_start3A_86 = arith.constant 1 : i32
    %dma_start3A_87 = arith.constant 0 : i32
    %dma_start3A_88 = tpu.memref_slice %arg8[%dma_start3A_84, %dma_start3A_87] : memref<2x128xf32, #tpu.memory_space<vmem>> -> memref<1x128xf32, #tpu.memory_space<vmem>>
    %dma_start3A_89 = tpu.memref_squeeze %dma_start3A_88 : memref<1x128xf32, #tpu.memory_space<vmem>> -> memref<128xf32, #tpu.memory_space<vmem>>
    %dma_start3A_90 = arith.constant 0 : i32
    %dma_start3A_91 = tpu.memref_slice %arg7[%dma_start3A_85, %dma_start3A_90] : memref<80x128xi32, #tpu.memory_space<vmem>> -> memref<1x128xi32, #tpu.memory_space<vmem>>
    %dma_start3A_92 = tpu.memref_squeeze %dma_start3A_91 : memref<1x128xi32, #tpu.memory_space<vmem>> -> memref<128xi32, #tpu.memory_space<vmem>>
    %dma_start3A_93 = arith.constant 0 : i32
    %dma_start3A_94 = tpu.memref_slice %arg11[%dma_start3A_93] : memref<10240xf32, #tpu.memory_space<vmem_shared>> -> memref<10240xf32, #tpu.memory_space<vmem_shared>>
    %dma_start3A_95 = tpu.memref_slice %arg13[%dma_start3A_86] : memref<2x!tpu.dma_semaphore, #tpu.memory_space<semaphore_mem>> -> memref<1x!tpu.dma_semaphore, #tpu.memory_space<semaphore_mem>>
    %dma_start3A_96 = tpu.memref_squeeze %dma_start3A_95 : memref<1x!tpu.dma_semaphore, #tpu.memory_space<semaphore_mem>> -> memref<!tpu.dma_semaphore, #tpu.memory_space<semaphore_mem>>
    tpu.enqueue_indirect_dma source(%dma_start3A_89 : memref<128xf32, #tpu.memory_space<vmem>>) target(%dma_start3A_94 : memref<10240xf32, #tpu.memory_space<vmem_shared>>) offsets(%dma_start3A_92 : memref<128xi32, #tpu.memory_space<vmem>>) semaphore(%dma_start3A_96 : memref<!tpu.dma_semaphore, #tpu.memory_space<semaphore_mem>>) {add = true}
    %dma_wait3A_97 = arith.constant 0 : i32
    %dma_wait3A_98 = arith.constant 78 : i32
    %dma_wait3A_99 = arith.constant 0 : i32
    %dma_wait3A_100 = arith.constant 0 : i32
    %dma_wait3A_101 = tpu.memref_slice %arg8[%dma_wait3A_97, %dma_wait3A_100] : memref<2x128xf32, #tpu.memory_space<vmem>> -> memref<1x128xf32, #tpu.memory_space<vmem>>
    %dma_wait3A_102 = tpu.memref_squeeze %dma_wait3A_101 : memref<1x128xf32, #tpu.memory_space<vmem>> -> memref<128xf32, #tpu.memory_space<vmem>>
    %dma_wait3A_103 = arith.constant 0 : i32
    %dma_wait3A_104 = tpu.memref_slice %arg7[%dma_wait3A_98, %dma_wait3A_103] : memref<80x128xi32, #tpu.memory_space<vmem>> -> memref<1x128xi32, #tpu.memory_space<vmem>>
    %dma_wait3A_105 = tpu.memref_squeeze %dma_wait3A_104 : memref<1x128xi32, #tpu.memory_space<vmem>> -> memref<128xi32, #tpu.memory_space<vmem>>
    %dma_wait3A_106 = arith.constant 0 : i32
    %dma_wait3A_107 = tpu.memref_slice %arg11[%dma_wait3A_106] : memref<10240xf32, #tpu.memory_space<vmem_shared>> -> memref<10240xf32, #tpu.memory_space<vmem_shared>>
    %dma_wait3A_108 = tpu.memref_slice %arg13[%dma_wait3A_99] : memref<2x!tpu.dma_semaphore, #tpu.memory_space<semaphore_mem>> -> memref<1x!tpu.dma_semaphore, #tpu.memory_space<semaphore_mem>>
    %dma_wait3A_109 = tpu.memref_squeeze %dma_wait3A_108 : memref<1x!tpu.dma_semaphore, #tpu.memory_space<semaphore_mem>> -> memref<!tpu.dma_semaphore, #tpu.memory_space<semaphore_mem>>
    tpu.wait_indirect_dma semaphore(%dma_wait3A_109 : memref<!tpu.dma_semaphore, #tpu.memory_space<semaphore_mem>>) src(%dma_wait3A_102 : memref<128xf32, #tpu.memory_space<vmem>>) dst(%dma_wait3A_107 : memref<10240xf32, #tpu.memory_space<vmem_shared>>)
    %dma_wait3A_110 = arith.constant 1 : i32
    %dma_wait3A_111 = arith.constant 79 : i32
    %dma_wait3A_112 = arith.constant 1 : i32
    %dma_wait3A_113 = arith.constant 0 : i32
    %dma_wait3A_114 = tpu.memref_slice %arg8[%dma_wait3A_110, %dma_wait3A_113] : memref<2x128xf32, #tpu.memory_space<vmem>> -> memref<1x128xf32, #tpu.memory_space<vmem>>
    %dma_wait3A_115 = tpu.memref_squeeze %dma_wait3A_114 : memref<1x128xf32, #tpu.memory_space<vmem>> -> memref<128xf32, #tpu.memory_space<vmem>>
    %dma_wait3A_116 = arith.constant 0 : i32
    %dma_wait3A_117 = tpu.memref_slice %arg7[%dma_wait3A_111, %dma_wait3A_116] : memref<80x128xi32, #tpu.memory_space<vmem>> -> memref<1x128xi32, #tpu.memory_space<vmem>>
    %dma_wait3A_118 = tpu.memref_squeeze %dma_wait3A_117 : memref<1x128xi32, #tpu.memory_space<vmem>> -> memref<128xi32, #tpu.memory_space<vmem>>
    %dma_wait3A_119 = arith.constant 0 : i32
    %dma_wait3A_120 = tpu.memref_slice %arg11[%dma_wait3A_119] : memref<10240xf32, #tpu.memory_space<vmem_shared>> -> memref<10240xf32, #tpu.memory_space<vmem_shared>>
    %dma_wait3A_121 = tpu.memref_slice %arg13[%dma_wait3A_112] : memref<2x!tpu.dma_semaphore, #tpu.memory_space<semaphore_mem>> -> memref<1x!tpu.dma_semaphore, #tpu.memory_space<semaphore_mem>>
    %dma_wait3A_122 = tpu.memref_squeeze %dma_wait3A_121 : memref<1x!tpu.dma_semaphore, #tpu.memory_space<semaphore_mem>> -> memref<!tpu.dma_semaphore, #tpu.memory_space<semaphore_mem>>
    tpu.wait_indirect_dma semaphore(%dma_wait3A_122 : memref<!tpu.dma_semaphore, #tpu.memory_space<semaphore_mem>>) src(%dma_wait3A_115 : memref<128xf32, #tpu.memory_space<vmem>>) dst(%dma_wait3A_120 : memref<10240xf32, #tpu.memory_space<vmem_shared>>)
    %barrier3A_123 = arith.constant 0 : index
    tpu.barrier barrier_id(%barrier3A_123)
    %mul3A_124 = arith.constant 640 : i32
    %mul3A_125 = arith.muli %arg1, %mul3A_124 : i32
    %mul3A_126 = arith.constant 640 : i32
    %mul3A_127 = arith.muli %arg1, %mul3A_126 : i32
    "tpu.region"() ({
      %run_scoped3A = tpu.sem_alloc : memref<!tpu.dma_semaphore, #tpu.memory_space<semaphore_mem>>
      %dma_start3A_128 = tpu.memref_slice %arg5[%arg0, %mul3A_127] : memref<2x10240xf32, #tpu.memory_space<hbm>> -> memref<1x640xf32, #tpu.memory_space<hbm>>
      %dma_start3A_129 = tpu.memref_squeeze %dma_start3A_128 : memref<1x640xf32, #tpu.memory_space<hbm>> -> memref<640xf32, #tpu.memory_space<hbm>>
      %dma_start3A_130 = tpu.memref_slice %arg11[%mul3A_125] : memref<10240xf32, #tpu.memory_space<vmem_shared>> -> memref<640xf32, #tpu.memory_space<vmem_shared>>
      tpu.enqueue_dma source(%dma_start3A_130 : memref<640xf32, #tpu.memory_space<vmem_shared>>) target(%dma_start3A_129 : memref<640xf32, #tpu.memory_space<hbm>>) target_semaphore(%run_scoped3A : memref<!tpu.dma_semaphore, #tpu.memory_space<semaphore_mem>>)
      %dma_wait3A_131 = tpu.memref_slice %arg5[%arg0, %mul3A_127] : memref<2x10240xf32, #tpu.memory_space<hbm>> -> memref<1x640xf32, #tpu.memory_space<hbm>>
      %dma_wait3A_132 = tpu.memref_squeeze %dma_wait3A_131 : memref<1x640xf32, #tpu.memory_space<hbm>> -> memref<640xf32, #tpu.memory_space<hbm>>
      %dma_wait3A_133 = tpu.memref_slice %arg11[%mul3A_125] : memref<10240xf32, #tpu.memory_space<vmem_shared>> -> memref<640xf32, #tpu.memory_space<vmem_shared>>
      tpu.wait_dma2 semaphore(%run_scoped3A : memref<!tpu.dma_semaphore, #tpu.memory_space<semaphore_mem>>) src(%dma_wait3A_133 : memref<640xf32, #tpu.memory_space<vmem_shared>>) dst(%dma_wait3A_132 : memref<640xf32, #tpu.memory_space<hbm>>)
      tpu.yield
    }) : () -> ()
    return
  }
}

#map = affine_map<(d0, d1) -> (0, 0)>
#map1 = affine_map<(d0, d1) -> (0, 0, 0)>
module attributes {stable_mosaic.version = 14 : i64} {
  func.func @_sc_agg64_body(%arg0: i32, %arg1: i32, %arg2: memref<10240x64xf32, #tpu.memory_space<hbm>>, %arg3: memref<2560x128xi32, #tpu.memory_space<hbm>>, %arg4: memref<2560x128xi32, #tpu.memory_space<hbm>>, %arg5: memref<2x10240x64xf32, #tpu.memory_space<hbm>>, %arg6: memref<2x10240xf32, #tpu.memory_space<hbm>>, %arg7: memref<80x128xi32, #tpu.memory_space<vmem>>, %arg8: memref<80x128xi32, #tpu.memory_space<vmem>>, %arg9: memref<2x128x64xf32, #tpu.memory_space<vmem>>, %arg10: memref<128xf32, #tpu.memory_space<vmem>>, %arg11: memref<640xf32, #tpu.memory_space<vmem>>, %arg12: memref<10240x64xf32, #tpu.memory_space<vmem_shared>>, %arg13: memref<10240x64xf32, #tpu.memory_space<vmem_shared>>, %arg14: memref<10240xf32, #tpu.memory_space<vmem_shared>>, %arg15: memref<2x!tpu.dma_semaphore, #tpu.memory_space<semaphore_mem>>, %arg16: memref<2x!tpu.dma_semaphore, #tpu.memory_space<semaphore_mem>>, %arg17: memref<2x!tpu.dma_semaphore, #tpu.memory_space<semaphore_mem>>) attributes {dimension_semantics = [#tpu.dimension_semantics<core_parallel>, #tpu.dimension_semantics<subcore_parallel>], iteration_bounds = array<i64: 2, 16>, scalar_prefetch = 0 : i64, scratch_operands = 11 : i64, tpu.core_type = #tpu.core_type<sc_vector_subcore>, window_params = [{transform_indices = #map}, {transform_indices = #map}, {transform_indices = #map}, {transform_indices = #map1}, {transform_indices = #map}]} {
    %broadcast_in_dim3A = arith.constant 0.000000e+00 : f32
    %broadcast_in_dim3A_0 = vector.broadcast %broadcast_in_dim3A : f32 to vector<16xf32>
    %broadcast_in_dim3A_1 = arith.constant 1.000000e+00 : f32
    %broadcast_in_dim3A_2 = vector.broadcast %broadcast_in_dim3A_1 : f32 to vector<16xf32>
    %scan3A = arith.constant 0 : i32
    %scan3A_3 = arith.constant 0 : i32
    %scan3A_4 = arith.constant 128 : i32
    %scan3A_5 = arith.addi %scan3A_3, %scan3A_4 : i32
    %scan3A_6 = arith.constant 1 : i32
    scf.for %scan3A_222 = %scan3A_3 to %scan3A_5 step %scan3A_6  : i32 {
      %swap3A = arith.constant 0 : i32
      %swap3A_223 = arith.index_cast %swap3A : i32 to index
      %swap3A_224 = arith.index_cast %scan3A_222 : i32 to index
      %swap3A_225 = arith.constant 0 : index
      %swap3A_226 = tpu.vector_load %arg9[%swap3A_223, %swap3A_224, %swap3A_225] {strides = array<i32>} : memref<2x128x64xf32, #tpu.memory_space<vmem>>, vector<1x1x16xf32>,
      %swap3A_227 = vector.shape_cast %swap3A_226 : vector<1x1x16xf32> to vector<16xf32>
      %swap3A_228 = vector.shape_cast %broadcast_in_dim3A_0 : vector<16xf32> to vector<1x1x16xf32>
      tpu.vector_store %arg9[%swap3A_223, %swap3A_224, %swap3A_225], %swap3A_228 {strides = array<i32>} : memref<2x128x64xf32, #tpu.memory_space<vmem>>, vector<1x1x16xf32>,
      %swap3A_229 = arith.constant 0 : i32
      %swap3A_230 = arith.index_cast %swap3A_229 : i32 to index
      %swap3A_231 = arith.index_cast %scan3A_222 : i32 to index
      %swap3A_232 = arith.constant 16 : index
      %swap3A_233 = tpu.vector_load %arg9[%swap3A_230, %swap3A_231, %swap3A_232] {strides = array<i32>} : memref<2x128x64xf32, #tpu.memory_space<vmem>>, vector<1x1x16xf32>,
      %swap3A_234 = vector.shape_cast %swap3A_233 : vector<1x1x16xf32> to vector<16xf32>
      %swap3A_235 = vector.shape_cast %broadcast_in_dim3A_0 : vector<16xf32> to vector<1x1x16xf32>
      tpu.vector_store %arg9[%swap3A_230, %swap3A_231, %swap3A_232], %swap3A_235 {strides = array<i32>} : memref<2x128x64xf32, #tpu.memory_space<vmem>>, vector<1x1x16xf32>,
      %swap3A_236 = arith.constant 0 : i32
      %swap3A_237 = arith.index_cast %swap3A_236 : i32 to index
      %swap3A_238 = arith.index_cast %scan3A_222 : i32 to index
      %swap3A_239 = arith.constant 32 : index
      %swap3A_240 = tpu.vector_load %arg9[%swap3A_237, %swap3A_238, %swap3A_239] {strides = array<i32>} : memref<2x128x64xf32, #tpu.memory_space<vmem>>, vector<1x1x16xf32>,
      %swap3A_241 = vector.shape_cast %swap3A_240 : vector<1x1x16xf32> to vector<16xf32>
      %swap3A_242 = vector.shape_cast %broadcast_in_dim3A_0 : vector<16xf32> to vector<1x1x16xf32>
      tpu.vector_store %arg9[%swap3A_237, %swap3A_238, %swap3A_239], %swap3A_242 {strides = array<i32>} : memref<2x128x64xf32, #tpu.memory_space<vmem>>, vector<1x1x16xf32>,
      %swap3A_243 = arith.constant 0 : i32
      %swap3A_244 = arith.index_cast %swap3A_243 : i32 to index
      %swap3A_245 = arith.index_cast %scan3A_222 : i32 to index
      %swap3A_246 = arith.constant 48 : index
      %swap3A_247 = tpu.vector_load %arg9[%swap3A_244, %swap3A_245, %swap3A_246] {strides = array<i32>} : memref<2x128x64xf32, #tpu.memory_space<vmem>>, vector<1x1x16xf32>,
      %swap3A_248 = vector.shape_cast %swap3A_247 : vector<1x1x16xf32> to vector<16xf32>
      %swap3A_249 = vector.shape_cast %broadcast_in_dim3A_0 : vector<16xf32> to vector<1x1x16xf32>
      tpu.vector_store %arg9[%swap3A_244, %swap3A_245, %swap3A_246], %swap3A_249 {strides = array<i32>} : memref<2x128x64xf32, #tpu.memory_space<vmem>>, vector<1x1x16xf32>,
    }
    %scan3A_7 = arith.constant 128 : i32
    %scan3A_8 = arith.constant 0 : i32
    %scan3A_9 = arith.constant 0 : i32
    %scan3A_10 = arith.constant 8 : i32
    %scan3A_11 = arith.addi %scan3A_9, %scan3A_10 : i32
    %scan3A_12 = arith.constant 1 : i32
    scf.for %scan3A_222 = %scan3A_9 to %scan3A_11 step %scan3A_12  : i32 {
      %mul3A_223 = arith.constant 16 : i32
      %mul3A_224 = arith.muli %scan3A_222, %mul3A_223 : i32
      %swap3A = arith.index_cast %mul3A_224 : i32 to index
      %swap3A_225 = tpu.vector_load %arg10[%swap3A] {strides = array<i32>} : memref<128xf32, #tpu.memory_space<vmem>>, vector<16xf32>,
      %swap3A_226 = vector.shape_cast %swap3A_225 : vector<16xf32> to vector<16xf32>
      %swap3A_227 = vector.shape_cast %broadcast_in_dim3A_2 : vector<16xf32> to vector<16xf32>
      tpu.vector_store %arg10[%swap3A], %swap3A_227 {strides = array<i32>} : memref<128xf32, #tpu.memory_space<vmem>>, vector<16xf32>,
    }
    %scan3A_13 = arith.constant 8 : i32
    %scan3A_14 = arith.constant 0 : i32
    %scan3A_15 = arith.constant 0 : i32
    %scan3A_16 = arith.constant 40 : i32
    %scan3A_17 = arith.addi %scan3A_15, %scan3A_16 : i32
    %scan3A_18 = arith.constant 1 : i32
    scf.for %scan3A_222 = %scan3A_15 to %scan3A_17 step %scan3A_18  : i32 {
      %mul3A_223 = arith.constant 16 : i32
      %mul3A_224 = arith.muli %scan3A_222, %mul3A_223 : i32
      %swap3A = arith.index_cast %mul3A_224 : i32 to index
      %swap3A_225 = tpu.vector_load %arg11[%swap3A] {strides = array<i32>} : memref<640xf32, #tpu.memory_space<vmem>>, vector<16xf32>,
      %swap3A_226 = vector.shape_cast %swap3A_225 : vector<16xf32> to vector<16xf32>
      %swap3A_227 = vector.shape_cast %broadcast_in_dim3A_0 : vector<16xf32> to vector<16xf32>
      tpu.vector_store %arg11[%swap3A], %swap3A_227 {strides = array<i32>} : memref<640xf32, #tpu.memory_space<vmem>>, vector<16xf32>,
    }
    %scan3A_19 = arith.constant 40 : i32
    %mul3A = arith.constant 16 : i32
    %mul3A_20 = arith.muli %arg0, %mul3A : i32
    %add3A = arith.addi %mul3A_20, %arg1 : i32
    %mul3A_21 = arith.constant 80 : i32
    %mul3A_22 = arith.muli %add3A, %mul3A_21 : i32
    "tpu.region"() ({
      %run_scoped3A_222 = tpu.sem_alloc : memref<!tpu.dma_semaphore, #tpu.memory_space<semaphore_mem>>
      %dma_start3A_223 = arith.constant 0 : i32
      %dma_start3A_224 = tpu.memref_slice %arg3[%mul3A_22, %dma_start3A_223] : memref<2560x128xi32, #tpu.memory_space<hbm>> -> memref<80x128xi32, #tpu.memory_space<hbm>>
      %dma_start3A_225 = arith.constant 0 : i32
      %dma_start3A_226 = tpu.memref_slice %arg3[%mul3A_22, %dma_start3A_225] : memref<2560x128xi32, #tpu.memory_space<hbm>> -> memref<80x128xi32, #tpu.memory_space<hbm>>
      tpu.enqueue_dma source(%dma_start3A_226 : memref<80x128xi32, #tpu.memory_space<hbm>>) target(%arg7 : memref<80x128xi32, #tpu.memory_space<vmem>>) target_semaphore(%run_scoped3A_222 : memref<!tpu.dma_semaphore, #tpu.memory_space<semaphore_mem>>)
      %dma_wait3A_227 = arith.constant 0 : i32
      %dma_wait3A_228 = tpu.memref_slice %arg3[%mul3A_22, %dma_wait3A_227] : memref<2560x128xi32, #tpu.memory_space<hbm>> -> memref<80x128xi32, #tpu.memory_space<hbm>>
      %dma_wait3A_229 = arith.constant 0 : i32
      %dma_wait3A_230 = tpu.memref_slice %arg3[%mul3A_22, %dma_wait3A_229] : memref<2560x128xi32, #tpu.memory_space<hbm>> -> memref<80x128xi32, #tpu.memory_space<hbm>>
      tpu.wait_dma2 semaphore(%run_scoped3A_222 : memref<!tpu.dma_semaphore, #tpu.memory_space<semaphore_mem>>) src(%dma_wait3A_230 : memref<80x128xi32, #tpu.memory_space<hbm>>) dst(%arg7 : memref<80x128xi32, #tpu.memory_space<vmem>>)
      tpu.yield
    }) : () -> ()
    "tpu.region"() ({
      %run_scoped3A_222 = tpu.sem_alloc : memref<!tpu.dma_semaphore, #tpu.memory_space<semaphore_mem>>
      %dma_start3A_223 = arith.constant 0 : i32
      %dma_start3A_224 = tpu.memref_slice %arg4[%mul3A_22, %dma_start3A_223] : memref<2560x128xi32, #tpu.memory_space<hbm>> -> memref<80x128xi32, #tpu.memory_space<hbm>>
      %dma_start3A_225 = arith.constant 0 : i32
      %dma_start3A_226 = tpu.memref_slice %arg4[%mul3A_22, %dma_start3A_225] : memref<2560x128xi32, #tpu.memory_space<hbm>> -> memref<80x128xi32, #tpu.memory_space<hbm>>
      tpu.enqueue_dma source(%dma_start3A_226 : memref<80x128xi32, #tpu.memory_space<hbm>>) target(%arg8 : memref<80x128xi32, #tpu.memory_space<vmem>>) target_semaphore(%run_scoped3A_222 : memref<!tpu.dma_semaphore, #tpu.memory_space<semaphore_mem>>)
      %dma_wait3A_227 = arith.constant 0 : i32
      %dma_wait3A_228 = tpu.memref_slice %arg4[%mul3A_22, %dma_wait3A_227] : memref<2560x128xi32, #tpu.memory_space<hbm>> -> memref<80x128xi32, #tpu.memory_space<hbm>>
      %dma_wait3A_229 = arith.constant 0 : i32
      %dma_wait3A_230 = tpu.memref_slice %arg4[%mul3A_22, %dma_wait3A_229] : memref<2560x128xi32, #tpu.memory_space<hbm>> -> memref<80x128xi32, #tpu.memory_space<hbm>>
      tpu.wait_dma2 semaphore(%run_scoped3A_222 : memref<!tpu.dma_semaphore, #tpu.memory_space<semaphore_mem>>) src(%dma_wait3A_230 : memref<80x128xi32, #tpu.memory_space<hbm>>) dst(%arg8 : memref<80x128xi32, #tpu.memory_space<vmem>>)
      tpu.yield
    }) : () -> ()
    %mul3A_23 = arith.constant 640 : i32
    %mul3A_24 = arith.muli %arg1, %mul3A_23 : i32
    %mul3A_25 = arith.constant 640 : i32
    %mul3A_26 = arith.muli %arg1, %mul3A_25 : i32
    "tpu.region"() ({
      %run_scoped3A_222 = tpu.sem_alloc : memref<!tpu.dma_semaphore, #tpu.memory_space<semaphore_mem>>
      %dma_start3A_223 = arith.constant 0 : i32
      %dma_start3A_224 = tpu.memref_slice %arg12[%mul3A_26, %dma_start3A_223] : memref<10240x64xf32, #tpu.memory_space<vmem_shared>> -> memref<640x64xf32, #tpu.memory_space<vmem_shared>>
      %dma_start3A_225 = arith.constant 0 : i32
      %dma_start3A_226 = tpu.memref_slice %arg2[%mul3A_24, %dma_start3A_225] : memref<10240x64xf32, #tpu.memory_space<hbm>> -> memref<640x64xf32, #tpu.memory_space<hbm>>
      tpu.enqueue_dma source(%dma_start3A_226 : memref<640x64xf32, #tpu.memory_space<hbm>>) target(%dma_start3A_224 : memref<640x64xf32, #tpu.memory_space<vmem_shared>>) target_semaphore(%run_scoped3A_222 : memref<!tpu.dma_semaphore, #tpu.memory_space<semaphore_mem>>)
      %dma_wait3A_227 = arith.constant 0 : i32
      %dma_wait3A_228 = tpu.memref_slice %arg12[%mul3A_26, %dma_wait3A_227] : memref<10240x64xf32, #tpu.memory_space<vmem_shared>> -> memref<640x64xf32, #tpu.memory_space<vmem_shared>>
      %dma_wait3A_229 = arith.constant 0 : i32
      %dma_wait3A_230 = tpu.memref_slice %arg2[%mul3A_24, %dma_wait3A_229] : memref<10240x64xf32, #tpu.memory_space<hbm>> -> memref<640x64xf32, #tpu.memory_space<hbm>>
      tpu.wait_dma2 semaphore(%run_scoped3A_222 : memref<!tpu.dma_semaphore, #tpu.memory_space<semaphore_mem>>) src(%dma_wait3A_230 : memref<640x64xf32, #tpu.memory_space<hbm>>) dst(%dma_wait3A_228 : memref<640x64xf32, #tpu.memory_space<vmem_shared>>)
      tpu.yield
    }) : () -> ()
    %mul3A_27 = arith.constant 640 : i32
    %mul3A_28 = arith.muli %arg1, %mul3A_27 : i32
    %add3A_29 = arith.constant 0 : i32
    %add3A_30 = arith.addi %mul3A_28, %add3A_29 : i32
    %run_scoped3A = arith.constant 0 : i32
    "tpu.region"() ({
      %run_scoped3A_222 = tpu.sem_alloc : memref<!tpu.dma_semaphore, #tpu.memory_space<semaphore_mem>>
      %dma_start3A_223 = arith.constant 0 : i32
      %dma_start3A_224 = arith.constant 0 : i32
      %dma_start3A_225 = tpu.memref_slice %arg9[%run_scoped3A, %dma_start3A_223, %dma_start3A_224] : memref<2x128x64xf32, #tpu.memory_space<vmem>> -> memref<1x128x64xf32, #tpu.memory_space<vmem>>
      %dma_start3A_226 = tpu.memref_squeeze %dma_start3A_225 : memref<1x128x64xf32, #tpu.memory_space<vmem>> -> memref<128x64xf32, #tpu.memory_space<vmem>>
      %dma_start3A_227 = arith.constant 0 : i32
      %dma_start3A_228 = tpu.memref_slice %arg13[%add3A_30, %dma_start3A_227] : memref<10240x64xf32, #tpu.memory_space<vmem_shared>> -> memref<128x64xf32, #tpu.memory_space<vmem_shared>>
      %dma_start3A_229 = arith.constant 0 : i32
      %dma_start3A_230 = tpu.memref_slice %arg13[%add3A_30, %dma_start3A_229] : memref<10240x64xf32, #tpu.memory_space<vmem_shared>> -> memref<128x64xf32, #tpu.memory_space<vmem_shared>>
      %dma_start3A_231 = arith.constant 0 : i32
      %dma_start3A_232 = arith.constant 0 : i32
      %dma_start3A_233 = tpu.memref_slice %arg9[%run_scoped3A, %dma_start3A_231, %dma_start3A_232] : memref<2x128x64xf32, #tpu.memory_space<vmem>> -> memref<1x128x64xf32, #tpu.memory_space<vmem>>
      %dma_start3A_234 = tpu.memref_squeeze %dma_start3A_233 : memref<1x128x64xf32, #tpu.memory_space<vmem>> -> memref<128x64xf32, #tpu.memory_space<vmem>>
      tpu.enqueue_dma source(%dma_start3A_234 : memref<128x64xf32, #tpu.memory_space<vmem>>) target(%dma_start3A_230 : memref<128x64xf32, #tpu.memory_space<vmem_shared>>) target_semaphore(%run_scoped3A_222 : memref<!tpu.dma_semaphore, #tpu.memory_space<semaphore_mem>>)
      %dma_wait3A_235 = arith.constant 0 : i32
      %dma_wait3A_236 = arith.constant 0 : i32
      %dma_wait3A_237 = tpu.memref_slice %arg9[%run_scoped3A, %dma_wait3A_235, %dma_wait3A_236] : memref<2x128x64xf32, #tpu.memory_space<vmem>> -> memref<1x128x64xf32, #tpu.memory_space<vmem>>
      %dma_wait3A_238 = tpu.memref_squeeze %dma_wait3A_237 : memref<1x128x64xf32, #tpu.memory_space<vmem>> -> memref<128x64xf32, #tpu.memory_space<vmem>>
      %dma_wait3A_239 = arith.constant 0 : i32
      %dma_wait3A_240 = tpu.memref_slice %arg13[%add3A_30, %dma_wait3A_239] : memref<10240x64xf32, #tpu.memory_space<vmem_shared>> -> memref<128x64xf32, #tpu.memory_space<vmem_shared>>
      %dma_wait3A_241 = arith.constant 0 : i32
      %dma_wait3A_242 = tpu.memref_slice %arg13[%add3A_30, %dma_wait3A_241] : memref<10240x64xf32, #tpu.memory_space<vmem_shared>> -> memref<128x64xf32, #tpu.memory_space<vmem_shared>>
      %dma_wait3A_243 = arith.constant 0 : i32
      %dma_wait3A_244 = arith.constant 0 : i32
      %dma_wait3A_245 = tpu.memref_slice %arg9[%run_scoped3A, %dma_wait3A_243, %dma_wait3A_244] : memref<2x128x64xf32, #tpu.memory_space<vmem>> -> memref<1x128x64xf32, #tpu.memory_space<vmem>>
      %dma_wait3A_246 = tpu.memref_squeeze %dma_wait3A_245 : memref<1x128x64xf32, #tpu.memory_space<vmem>> -> memref<128x64xf32, #tpu.memory_space<vmem>>
      tpu.wait_dma2 semaphore(%run_scoped3A_222 : memref<!tpu.dma_semaphore, #tpu.memory_space<semaphore_mem>>) src(%dma_wait3A_246 : memref<128x64xf32, #tpu.memory_space<vmem>>) dst(%dma_wait3A_242 : memref<128x64xf32, #tpu.memory_space<vmem_shared>>)
      tpu.yield
    }) : () -> ()
    %mul3A_31 = arith.constant 640 : i32
    %mul3A_32 = arith.muli %arg1, %mul3A_31 : i32
    %add3A_33 = arith.constant 128 : i32
    %add3A_34 = arith.addi %mul3A_32, %add3A_33 : i32
    %run_scoped3A_35 = arith.constant 0 : i32
    "tpu.region"() ({
      %run_scoped3A_222 = tpu.sem_alloc : memref<!tpu.dma_semaphore, #tpu.memory_space<semaphore_mem>>
      %dma_start3A_223 = arith.constant 0 : i32
      %dma_start3A_224 = arith.constant 0 : i32
      %dma_start3A_225 = tpu.memref_slice %arg9[%run_scoped3A_35, %dma_start3A_223, %dma_start3A_224] : memref<2x128x64xf32, #tpu.memory_space<vmem>> -> memref<1x128x64xf32, #tpu.memory_space<vmem>>
      %dma_start3A_226 = tpu.memref_squeeze %dma_start3A_225 : memref<1x128x64xf32, #tpu.memory_space<vmem>> -> memref<128x64xf32, #tpu.memory_space<vmem>>
      %dma_start3A_227 = arith.constant 0 : i32
      %dma_start3A_228 = tpu.memref_slice %arg13[%add3A_34, %dma_start3A_227] : memref<10240x64xf32, #tpu.memory_space<vmem_shared>> -> memref<128x64xf32, #tpu.memory_space<vmem_shared>>
      %dma_start3A_229 = arith.constant 0 : i32
      %dma_start3A_230 = tpu.memref_slice %arg13[%add3A_34, %dma_start3A_229] : memref<10240x64xf32, #tpu.memory_space<vmem_shared>> -> memref<128x64xf32, #tpu.memory_space<vmem_shared>>
      %dma_start3A_231 = arith.constant 0 : i32
      %dma_start3A_232 = arith.constant 0 : i32
      %dma_start3A_233 = tpu.memref_slice %arg9[%run_scoped3A_35, %dma_start3A_231, %dma_start3A_232] : memref<2x128x64xf32, #tpu.memory_space<vmem>> -> memref<1x128x64xf32, #tpu.memory_space<vmem>>
      %dma_start3A_234 = tpu.memref_squeeze %dma_start3A_233 : memref<1x128x64xf32, #tpu.memory_space<vmem>> -> memref<128x64xf32, #tpu.memory_space<vmem>>
      tpu.enqueue_dma source(%dma_start3A_234 : memref<128x64xf32, #tpu.memory_space<vmem>>) target(%dma_start3A_230 : memref<128x64xf32, #tpu.memory_space<vmem_shared>>) target_semaphore(%run_scoped3A_222 : memref<!tpu.dma_semaphore, #tpu.memory_space<semaphore_mem>>)
      %dma_wait3A_235 = arith.constant 0 : i32
      %dma_wait3A_236 = arith.constant 0 : i32
      %dma_wait3A_237 = tpu.memref_slice %arg9[%run_scoped3A_35, %dma_wait3A_235, %dma_wait3A_236] : memref<2x128x64xf32, #tpu.memory_space<vmem>> -> memref<1x128x64xf32, #tpu.memory_space<vmem>>
      %dma_wait3A_238 = tpu.memref_squeeze %dma_wait3A_237 : memref<1x128x64xf32, #tpu.memory_space<vmem>> -> memref<128x64xf32, #tpu.memory_space<vmem>>
      %dma_wait3A_239 = arith.constant 0 : i32
      %dma_wait3A_240 = tpu.memref_slice %arg13[%add3A_34, %dma_wait3A_239] : memref<10240x64xf32, #tpu.memory_space<vmem_shared>> -> memref<128x64xf32, #tpu.memory_space<vmem_shared>>
      %dma_wait3A_241 = arith.constant 0 : i32
      %dma_wait3A_242 = tpu.memref_slice %arg13[%add3A_34, %dma_wait3A_241] : memref<10240x64xf32, #tpu.memory_space<vmem_shared>> -> memref<128x64xf32, #tpu.memory_space<vmem_shared>>
      %dma_wait3A_243 = arith.constant 0 : i32
      %dma_wait3A_244 = arith.constant 0 : i32
      %dma_wait3A_245 = tpu.memref_slice %arg9[%run_scoped3A_35, %dma_wait3A_243, %dma_wait3A_244] : memref<2x128x64xf32, #tpu.memory_space<vmem>> -> memref<1x128x64xf32, #tpu.memory_space<vmem>>
      %dma_wait3A_246 = tpu.memref_squeeze %dma_wait3A_245 : memref<1x128x64xf32, #tpu.memory_space<vmem>> -> memref<128x64xf32, #tpu.memory_space<vmem>>
      tpu.wait_dma2 semaphore(%run_scoped3A_222 : memref<!tpu.dma_semaphore, #tpu.memory_space<semaphore_mem>>) src(%dma_wait3A_246 : memref<128x64xf32, #tpu.memory_space<vmem>>) dst(%dma_wait3A_242 : memref<128x64xf32, #tpu.memory_space<vmem_shared>>)
      tpu.yield
    }) : () -> ()
    %mul3A_36 = arith.constant 640 : i32
    %mul3A_37 = arith.muli %arg1, %mul3A_36 : i32
    %add3A_38 = arith.constant 256 : i32
    %add3A_39 = arith.addi %mul3A_37, %add3A_38 : i32
    %run_scoped3A_40 = arith.constant 0 : i32
    "tpu.region"() ({
      %run_scoped3A_222 = tpu.sem_alloc : memref<!tpu.dma_semaphore, #tpu.memory_space<semaphore_mem>>
      %dma_start3A_223 = arith.constant 0 : i32
      %dma_start3A_224 = arith.constant 0 : i32
      %dma_start3A_225 = tpu.memref_slice %arg9[%run_scoped3A_40, %dma_start3A_223, %dma_start3A_224] : memref<2x128x64xf32, #tpu.memory_space<vmem>> -> memref<1x128x64xf32, #tpu.memory_space<vmem>>
      %dma_start3A_226 = tpu.memref_squeeze %dma_start3A_225 : memref<1x128x64xf32, #tpu.memory_space<vmem>> -> memref<128x64xf32, #tpu.memory_space<vmem>>
      %dma_start3A_227 = arith.constant 0 : i32
      %dma_start3A_228 = tpu.memref_slice %arg13[%add3A_39, %dma_start3A_227] : memref<10240x64xf32, #tpu.memory_space<vmem_shared>> -> memref<128x64xf32, #tpu.memory_space<vmem_shared>>
      %dma_start3A_229 = arith.constant 0 : i32
      %dma_start3A_230 = tpu.memref_slice %arg13[%add3A_39, %dma_start3A_229] : memref<10240x64xf32, #tpu.memory_space<vmem_shared>> -> memref<128x64xf32, #tpu.memory_space<vmem_shared>>
      %dma_start3A_231 = arith.constant 0 : i32
      %dma_start3A_232 = arith.constant 0 : i32
      %dma_start3A_233 = tpu.memref_slice %arg9[%run_scoped3A_40, %dma_start3A_231, %dma_start3A_232] : memref<2x128x64xf32, #tpu.memory_space<vmem>> -> memref<1x128x64xf32, #tpu.memory_space<vmem>>
      %dma_start3A_234 = tpu.memref_squeeze %dma_start3A_233 : memref<1x128x64xf32, #tpu.memory_space<vmem>> -> memref<128x64xf32, #tpu.memory_space<vmem>>
      tpu.enqueue_dma source(%dma_start3A_234 : memref<128x64xf32, #tpu.memory_space<vmem>>) target(%dma_start3A_230 : memref<128x64xf32, #tpu.memory_space<vmem_shared>>) target_semaphore(%run_scoped3A_222 : memref<!tpu.dma_semaphore, #tpu.memory_space<semaphore_mem>>)
      %dma_wait3A_235 = arith.constant 0 : i32
      %dma_wait3A_236 = arith.constant 0 : i32
      %dma_wait3A_237 = tpu.memref_slice %arg9[%run_scoped3A_40, %dma_wait3A_235, %dma_wait3A_236] : memref<2x128x64xf32, #tpu.memory_space<vmem>> -> memref<1x128x64xf32, #tpu.memory_space<vmem>>
      %dma_wait3A_238 = tpu.memref_squeeze %dma_wait3A_237 : memref<1x128x64xf32, #tpu.memory_space<vmem>> -> memref<128x64xf32, #tpu.memory_space<vmem>>
      %dma_wait3A_239 = arith.constant 0 : i32
      %dma_wait3A_240 = tpu.memref_slice %arg13[%add3A_39, %dma_wait3A_239] : memref<10240x64xf32, #tpu.memory_space<vmem_shared>> -> memref<128x64xf32, #tpu.memory_space<vmem_shared>>
      %dma_wait3A_241 = arith.constant 0 : i32
      %dma_wait3A_242 = tpu.memref_slice %arg13[%add3A_39, %dma_wait3A_241] : memref<10240x64xf32, #tpu.memory_space<vmem_shared>> -> memref<128x64xf32, #tpu.memory_space<vmem_shared>>
      %dma_wait3A_243 = arith.constant 0 : i32
      %dma_wait3A_244 = arith.constant 0 : i32
      %dma_wait3A_245 = tpu.memref_slice %arg9[%run_scoped3A_40, %dma_wait3A_243, %dma_wait3A_244] : memref<2x128x64xf32, #tpu.memory_space<vmem>> -> memref<1x128x64xf32, #tpu.memory_space<vmem>>
      %dma_wait3A_246 = tpu.memref_squeeze %dma_wait3A_245 : memref<1x128x64xf32, #tpu.memory_space<vmem>> -> memref<128x64xf32, #tpu.memory_space<vmem>>
      tpu.wait_dma2 semaphore(%run_scoped3A_222 : memref<!tpu.dma_semaphore, #tpu.memory_space<semaphore_mem>>) src(%dma_wait3A_246 : memref<128x64xf32, #tpu.memory_space<vmem>>) dst(%dma_wait3A_242 : memref<128x64xf32, #tpu.memory_space<vmem_shared>>)
      tpu.yield
    }) : () -> ()
    %mul3A_41 = arith.constant 640 : i32
    %mul3A_42 = arith.muli %arg1, %mul3A_41 : i32
    %add3A_43 = arith.constant 384 : i32
    %add3A_44 = arith.addi %mul3A_42, %add3A_43 : i32
    %run_scoped3A_45 = arith.constant 0 : i32
    "tpu.region"() ({
      %run_scoped3A_222 = tpu.sem_alloc : memref<!tpu.dma_semaphore, #tpu.memory_space<semaphore_mem>>
      %dma_start3A_223 = arith.constant 0 : i32
      %dma_start3A_224 = arith.constant 0 : i32
      %dma_start3A_225 = tpu.memref_slice %arg9[%run_scoped3A_45, %dma_start3A_223, %dma_start3A_224] : memref<2x128x64xf32, #tpu.memory_space<vmem>> -> memref<1x128x64xf32, #tpu.memory_space<vmem>>
      %dma_start3A_226 = tpu.memref_squeeze %dma_start3A_225 : memref<1x128x64xf32, #tpu.memory_space<vmem>> -> memref<128x64xf32, #tpu.memory_space<vmem>>
      %dma_start3A_227 = arith.constant 0 : i32
      %dma_start3A_228 = tpu.memref_slice %arg13[%add3A_44, %dma_start3A_227] : memref<10240x64xf32, #tpu.memory_space<vmem_shared>> -> memref<128x64xf32, #tpu.memory_space<vmem_shared>>
      %dma_start3A_229 = arith.constant 0 : i32
      %dma_start3A_230 = tpu.memref_slice %arg13[%add3A_44, %dma_start3A_229] : memref<10240x64xf32, #tpu.memory_space<vmem_shared>> -> memref<128x64xf32, #tpu.memory_space<vmem_shared>>
      %dma_start3A_231 = arith.constant 0 : i32
      %dma_start3A_232 = arith.constant 0 : i32
      %dma_start3A_233 = tpu.memref_slice %arg9[%run_scoped3A_45, %dma_start3A_231, %dma_start3A_232] : memref<2x128x64xf32, #tpu.memory_space<vmem>> -> memref<1x128x64xf32, #tpu.memory_space<vmem>>
      %dma_start3A_234 = tpu.memref_squeeze %dma_start3A_233 : memref<1x128x64xf32, #tpu.memory_space<vmem>> -> memref<128x64xf32, #tpu.memory_space<vmem>>
      tpu.enqueue_dma source(%dma_start3A_234 : memref<128x64xf32, #tpu.memory_space<vmem>>) target(%dma_start3A_230 : memref<128x64xf32, #tpu.memory_space<vmem_shared>>) target_semaphore(%run_scoped3A_222 : memref<!tpu.dma_semaphore, #tpu.memory_space<semaphore_mem>>)
      %dma_wait3A_235 = arith.constant 0 : i32
      %dma_wait3A_236 = arith.constant 0 : i32
      %dma_wait3A_237 = tpu.memref_slice %arg9[%run_scoped3A_45, %dma_wait3A_235, %dma_wait3A_236] : memref<2x128x64xf32, #tpu.memory_space<vmem>> -> memref<1x128x64xf32, #tpu.memory_space<vmem>>
      %dma_wait3A_238 = tpu.memref_squeeze %dma_wait3A_237 : memref<1x128x64xf32, #tpu.memory_space<vmem>> -> memref<128x64xf32, #tpu.memory_space<vmem>>
      %dma_wait3A_239 = arith.constant 0 : i32
      %dma_wait3A_240 = tpu.memref_slice %arg13[%add3A_44, %dma_wait3A_239] : memref<10240x64xf32, #tpu.memory_space<vmem_shared>> -> memref<128x64xf32, #tpu.memory_space<vmem_shared>>
      %dma_wait3A_241 = arith.constant 0 : i32
      %dma_wait3A_242 = tpu.memref_slice %arg13[%add3A_44, %dma_wait3A_241] : memref<10240x64xf32, #tpu.memory_space<vmem_shared>> -> memref<128x64xf32, #tpu.memory_space<vmem_shared>>
      %dma_wait3A_243 = arith.constant 0 : i32
      %dma_wait3A_244 = arith.constant 0 : i32
      %dma_wait3A_245 = tpu.memref_slice %arg9[%run_scoped3A_45, %dma_wait3A_243, %dma_wait3A_244] : memref<2x128x64xf32, #tpu.memory_space<vmem>> -> memref<1x128x64xf32, #tpu.memory_space<vmem>>
      %dma_wait3A_246 = tpu.memref_squeeze %dma_wait3A_245 : memref<1x128x64xf32, #tpu.memory_space<vmem>> -> memref<128x64xf32, #tpu.memory_space<vmem>>
      tpu.wait_dma2 semaphore(%run_scoped3A_222 : memref<!tpu.dma_semaphore, #tpu.memory_space<semaphore_mem>>) src(%dma_wait3A_246 : memref<128x64xf32, #tpu.memory_space<vmem>>) dst(%dma_wait3A_242 : memref<128x64xf32, #tpu.memory_space<vmem_shared>>)
      tpu.yield
    }) : () -> ()
    %mul3A_46 = arith.constant 640 : i32
    %mul3A_47 = arith.muli %arg1, %mul3A_46 : i32
    %add3A_48 = arith.constant 512 : i32
    %add3A_49 = arith.addi %mul3A_47, %add3A_48 : i32
    %run_scoped3A_50 = arith.constant 0 : i32
    "tpu.region"() ({
      %run_scoped3A_222 = tpu.sem_alloc : memref<!tpu.dma_semaphore, #tpu.memory_space<semaphore_mem>>
      %dma_start3A_223 = arith.constant 0 : i32
      %dma_start3A_224 = arith.constant 0 : i32
      %dma_start3A_225 = tpu.memref_slice %arg9[%run_scoped3A_50, %dma_start3A_223, %dma_start3A_224] : memref<2x128x64xf32, #tpu.memory_space<vmem>> -> memref<1x128x64xf32, #tpu.memory_space<vmem>>
      %dma_start3A_226 = tpu.memref_squeeze %dma_start3A_225 : memref<1x128x64xf32, #tpu.memory_space<vmem>> -> memref<128x64xf32, #tpu.memory_space<vmem>>
      %dma_start3A_227 = arith.constant 0 : i32
      %dma_start3A_228 = tpu.memref_slice %arg13[%add3A_49, %dma_start3A_227] : memref<10240x64xf32, #tpu.memory_space<vmem_shared>> -> memref<128x64xf32, #tpu.memory_space<vmem_shared>>
      %dma_start3A_229 = arith.constant 0 : i32
      %dma_start3A_230 = tpu.memref_slice %arg13[%add3A_49, %dma_start3A_229] : memref<10240x64xf32, #tpu.memory_space<vmem_shared>> -> memref<128x64xf32, #tpu.memory_space<vmem_shared>>
      %dma_start3A_231 = arith.constant 0 : i32
      %dma_start3A_232 = arith.constant 0 : i32
      %dma_start3A_233 = tpu.memref_slice %arg9[%run_scoped3A_50, %dma_start3A_231, %dma_start3A_232] : memref<2x128x64xf32, #tpu.memory_space<vmem>> -> memref<1x128x64xf32, #tpu.memory_space<vmem>>
      %dma_start3A_234 = tpu.memref_squeeze %dma_start3A_233 : memref<1x128x64xf32, #tpu.memory_space<vmem>> -> memref<128x64xf32, #tpu.memory_space<vmem>>
      tpu.enqueue_dma source(%dma_start3A_234 : memref<128x64xf32, #tpu.memory_space<vmem>>) target(%dma_start3A_230 : memref<128x64xf32, #tpu.memory_space<vmem_shared>>) target_semaphore(%run_scoped3A_222 : memref<!tpu.dma_semaphore, #tpu.memory_space<semaphore_mem>>)
      %dma_wait3A_235 = arith.constant 0 : i32
      %dma_wait3A_236 = arith.constant 0 : i32
      %dma_wait3A_237 = tpu.memref_slice %arg9[%run_scoped3A_50, %dma_wait3A_235, %dma_wait3A_236] : memref<2x128x64xf32, #tpu.memory_space<vmem>> -> memref<1x128x64xf32, #tpu.memory_space<vmem>>
      %dma_wait3A_238 = tpu.memref_squeeze %dma_wait3A_237 : memref<1x128x64xf32, #tpu.memory_space<vmem>> -> memref<128x64xf32, #tpu.memory_space<vmem>>
      %dma_wait3A_239 = arith.constant 0 : i32
      %dma_wait3A_240 = tpu.memref_slice %arg13[%add3A_49, %dma_wait3A_239] : memref<10240x64xf32, #tpu.memory_space<vmem_shared>> -> memref<128x64xf32, #tpu.memory_space<vmem_shared>>
      %dma_wait3A_241 = arith.constant 0 : i32
      %dma_wait3A_242 = tpu.memref_slice %arg13[%add3A_49, %dma_wait3A_241] : memref<10240x64xf32, #tpu.memory_space<vmem_shared>> -> memref<128x64xf32, #tpu.memory_space<vmem_shared>>
      %dma_wait3A_243 = arith.constant 0 : i32
      %dma_wait3A_244 = arith.constant 0 : i32
      %dma_wait3A_245 = tpu.memref_slice %arg9[%run_scoped3A_50, %dma_wait3A_243, %dma_wait3A_244] : memref<2x128x64xf32, #tpu.memory_space<vmem>> -> memref<1x128x64xf32, #tpu.memory_space<vmem>>
      %dma_wait3A_246 = tpu.memref_squeeze %dma_wait3A_245 : memref<1x128x64xf32, #tpu.memory_space<vmem>> -> memref<128x64xf32, #tpu.memory_space<vmem>>
      tpu.wait_dma2 semaphore(%run_scoped3A_222 : memref<!tpu.dma_semaphore, #tpu.memory_space<semaphore_mem>>) src(%dma_wait3A_246 : memref<128x64xf32, #tpu.memory_space<vmem>>) dst(%dma_wait3A_242 : memref<128x64xf32, #tpu.memory_space<vmem_shared>>)
      tpu.yield
    }) : () -> ()
    %mul3A_51 = arith.constant 640 : i32
    %mul3A_52 = arith.muli %arg1, %mul3A_51 : i32
    "tpu.region"() ({
      %run_scoped3A_222 = tpu.sem_alloc : memref<!tpu.dma_semaphore, #tpu.memory_space<semaphore_mem>>
      %dma_start3A_223 = tpu.memref_slice %arg14[%mul3A_52] : memref<10240xf32, #tpu.memory_space<vmem_shared>> -> memref<640xf32, #tpu.memory_space<vmem_shared>>
      %dma_start3A_224 = tpu.memref_slice %arg14[%mul3A_52] : memref<10240xf32, #tpu.memory_space<vmem_shared>> -> memref<640xf32, #tpu.memory_space<vmem_shared>>
      tpu.enqueue_dma source(%arg11 : memref<640xf32, #tpu.memory_space<vmem>>) target(%dma_start3A_224 : memref<640xf32, #tpu.memory_space<vmem_shared>>) target_semaphore(%run_scoped3A_222 : memref<!tpu.dma_semaphore, #tpu.memory_space<semaphore_mem>>)
      %dma_wait3A_225 = tpu.memref_slice %arg14[%mul3A_52] : memref<10240xf32, #tpu.memory_space<vmem_shared>> -> memref<640xf32, #tpu.memory_space<vmem_shared>>
      %dma_wait3A_226 = tpu.memref_slice %arg14[%mul3A_52] : memref<10240xf32, #tpu.memory_space<vmem_shared>> -> memref<640xf32, #tpu.memory_space<vmem_shared>>
      tpu.wait_dma2 semaphore(%run_scoped3A_222 : memref<!tpu.dma_semaphore, #tpu.memory_space<semaphore_mem>>) src(%arg11 : memref<640xf32, #tpu.memory_space<vmem>>) dst(%dma_wait3A_226 : memref<640xf32, #tpu.memory_space<vmem_shared>>)
      tpu.yield
    }) : () -> ()
    %barrier3A = arith.constant 0 : index
    tpu.barrier barrier_id(%barrier3A)
    %dma_start3A = arith.constant 0 : i32
    %dma_start3A_53 = arith.constant 0 : i32
    %dma_start3A_54 = arith.constant 0 : i32
    %dma_start3A_55 = arith.constant 0 : i32
    %dma_start3A_56 = arith.constant 0 : i32
    %dma_start3A_57 = tpu.memref_slice %arg9[%dma_start3A_53, %dma_start3A_55, %dma_start3A_56] : memref<2x128x64xf32, #tpu.memory_space<vmem>> -> memref<1x128x64xf32, #tpu.memory_space<vmem>>
    %dma_start3A_58 = tpu.memref_squeeze %dma_start3A_57 : memref<1x128x64xf32, #tpu.memory_space<vmem>> -> memref<128x64xf32, #tpu.memory_space<vmem>>
    %dma_start3A_59 = arith.constant 0 : i32
    %dma_start3A_60 = tpu.memref_slice %arg7[%dma_start3A, %dma_start3A_59] : memref<80x128xi32, #tpu.memory_space<vmem>> -> memref<1x128xi32, #tpu.memory_space<vmem>>
    %dma_start3A_61 = tpu.memref_squeeze %dma_start3A_60 : memref<1x128xi32, #tpu.memory_space<vmem>> -> memref<128xi32, #tpu.memory_space<vmem>>
    %dma_start3A_62 = arith.constant 0 : i32
    %dma_start3A_63 = arith.constant 0 : i32
    %dma_start3A_64 = tpu.memref_slice %arg12[%dma_start3A_62, %dma_start3A_63] : memref<10240x64xf32, #tpu.memory_space<vmem_shared>> -> memref<10240x64xf32, #tpu.memory_space<vmem_shared>>
    %dma_start3A_65 = tpu.memref_slice %arg15[%dma_start3A_54] : memref<2x!tpu.dma_semaphore, #tpu.memory_space<semaphore_mem>> -> memref<1x!tpu.dma_semaphore, #tpu.memory_space<semaphore_mem>>
    %dma_start3A_66 = tpu.memref_squeeze %dma_start3A_65 : memref<1x!tpu.dma_semaphore, #tpu.memory_space<semaphore_mem>> -> memref<!tpu.dma_semaphore, #tpu.memory_space<semaphore_mem>>
    tpu.enqueue_indirect_dma source(%dma_start3A_64 : memref<10240x64xf32, #tpu.memory_space<vmem_shared>>) target(%dma_start3A_58 : memref<128x64xf32, #tpu.memory_space<vmem>>) offsets(%dma_start3A_61 : memref<128xi32, #tpu.memory_space<vmem>>) semaphore(%dma_start3A_66 : memref<!tpu.dma_semaphore, #tpu.memory_space<semaphore_mem>>)
    %dma_start3A_67 = arith.constant 1 : i32
    %dma_start3A_68 = arith.constant 1 : i32
    %dma_start3A_69 = arith.constant 1 : i32
    %dma_start3A_70 = arith.constant 0 : i32
    %dma_start3A_71 = arith.constant 0 : i32
    %dma_start3A_72 = tpu.memref_slice %arg9[%dma_start3A_68, %dma_start3A_70, %dma_start3A_71] : memref<2x128x64xf32, #tpu.memory_space<vmem>> -> memref<1x128x64xf32, #tpu.memory_space<vmem>>
    %dma_start3A_73 = tpu.memref_squeeze %dma_start3A_72 : memref<1x128x64xf32, #tpu.memory_space<vmem>> -> memref<128x64xf32, #tpu.memory_space<vmem>>
    %dma_start3A_74 = arith.constant 0 : i32
    %dma_start3A_75 = tpu.memref_slice %arg7[%dma_start3A_67, %dma_start3A_74] : memref<80x128xi32, #tpu.memory_space<vmem>> -> memref<1x128xi32, #tpu.memory_space<vmem>>
    %dma_start3A_76 = tpu.memref_squeeze %dma_start3A_75 : memref<1x128xi32, #tpu.memory_space<vmem>> -> memref<128xi32, #tpu.memory_space<vmem>>
    %dma_start3A_77 = arith.constant 0 : i32
    %dma_start3A_78 = arith.constant 0 : i32
    %dma_start3A_79 = tpu.memref_slice %arg12[%dma_start3A_77, %dma_start3A_78] : memref<10240x64xf32, #tpu.memory_space<vmem_shared>> -> memref<10240x64xf32, #tpu.memory_space<vmem_shared>>
    %dma_start3A_80 = tpu.memref_slice %arg15[%dma_start3A_69] : memref<2x!tpu.dma_semaphore, #tpu.memory_space<semaphore_mem>> -> memref<1x!tpu.dma_semaphore, #tpu.memory_space<semaphore_mem>>
    %dma_start3A_81 = tpu.memref_squeeze %dma_start3A_80 : memref<1x!tpu.dma_semaphore, #tpu.memory_space<semaphore_mem>> -> memref<!tpu.dma_semaphore, #tpu.memory_space<semaphore_mem>>
    tpu.enqueue_indirect_dma source(%dma_start3A_79 : memref<10240x64xf32, #tpu.memory_space<vmem_shared>>) target(%dma_start3A_73 : memref<128x64xf32, #tpu.memory_space<vmem>>) offsets(%dma_start3A_76 : memref<128xi32, #tpu.memory_space<vmem>>) semaphore(%dma_start3A_81 : memref<!tpu.dma_semaphore, #tpu.memory_space<semaphore_mem>>)
    %scan3A_82 = arith.constant 0 : i32
    %scan3A_83 = arith.constant 0 : i32
    %scan3A_84 = arith.constant 39 : i32
    %scan3A_85 = arith.addi %scan3A_83, %scan3A_84 : i32
    %scan3A_86 = arith.constant 1 : i32
    scf.for %scan3A_222 = %scan3A_83 to %scan3A_85 step %scan3A_86  : i32 {
      %mul3A_223 = arith.constant 2 : i32
      %mul3A_224 = arith.muli %scan3A_222, %mul3A_223 : i32
      %add3A_225 = arith.constant 0 : i32
      %add3A_226 = arith.addi %mul3A_224, %add3A_225 : i32
      %dma_wait3A_227 = arith.constant 0 : i32
      %dma_wait3A_228 = arith.constant 0 : i32
      %dma_wait3A_229 = arith.constant 0 : i32
      %dma_wait3A_230 = arith.constant 0 : i32
      %dma_wait3A_231 = tpu.memref_slice %arg9[%dma_wait3A_227, %dma_wait3A_229, %dma_wait3A_230] : memref<2x128x64xf32, #tpu.memory_space<vmem>> -> memref<1x128x64xf32, #tpu.memory_space<vmem>>
      %dma_wait3A_232 = tpu.memref_squeeze %dma_wait3A_231 : memref<1x128x64xf32, #tpu.memory_space<vmem>> -> memref<128x64xf32, #tpu.memory_space<vmem>>
      %dma_wait3A_233 = arith.constant 0 : i32
      %dma_wait3A_234 = tpu.memref_slice %arg7[%add3A_226, %dma_wait3A_233] : memref<80x128xi32, #tpu.memory_space<vmem>> -> memref<1x128xi32, #tpu.memory_space<vmem>>
      %dma_wait3A_235 = tpu.memref_squeeze %dma_wait3A_234 : memref<1x128xi32, #tpu.memory_space<vmem>> -> memref<128xi32, #tpu.memory_space<vmem>>
      %dma_wait3A_236 = arith.constant 0 : i32
      %dma_wait3A_237 = arith.constant 0 : i32
      %dma_wait3A_238 = tpu.memref_slice %arg12[%dma_wait3A_236, %dma_wait3A_237] : memref<10240x64xf32, #tpu.memory_space<vmem_shared>> -> memref<10240x64xf32, #tpu.memory_space<vmem_shared>>
      %dma_wait3A_239 = tpu.memref_slice %arg15[%dma_wait3A_228] : memref<2x!tpu.dma_semaphore, #tpu.memory_space<semaphore_mem>> -> memref<1x!tpu.dma_semaphore, #tpu.memory_space<semaphore_mem>>
      %dma_wait3A_240 = tpu.memref_squeeze %dma_wait3A_239 : memref<1x!tpu.dma_semaphore, #tpu.memory_space<semaphore_mem>> -> memref<!tpu.dma_semaphore, #tpu.memory_space<semaphore_mem>>
      tpu.wait_indirect_dma semaphore(%dma_wait3A_240 : memref<!tpu.dma_semaphore, #tpu.memory_space<semaphore_mem>>) src(%dma_wait3A_238 : memref<10240x64xf32, #tpu.memory_space<vmem_shared>>) dst(%dma_wait3A_232 : memref<128x64xf32, #tpu.memory_space<vmem>>)
      %dma_start3A_241 = arith.constant 0 : i32
      %dma_start3A_242 = arith.constant 0 : i32
      %dma_start3A_243 = arith.constant 0 : i32
      %dma_start3A_244 = arith.constant 0 : i32
      %dma_start3A_245 = tpu.memref_slice %arg9[%dma_start3A_241, %dma_start3A_243, %dma_start3A_244] : memref<2x128x64xf32, #tpu.memory_space<vmem>> -> memref<1x128x64xf32, #tpu.memory_space<vmem>>
      %dma_start3A_246 = tpu.memref_squeeze %dma_start3A_245 : memref<1x128x64xf32, #tpu.memory_space<vmem>> -> memref<128x64xf32, #tpu.memory_space<vmem>>
      %dma_start3A_247 = arith.constant 0 : i32
      %dma_start3A_248 = tpu.memref_slice %arg8[%add3A_226, %dma_start3A_247] : memref<80x128xi32, #tpu.memory_space<vmem>> -> memref<1x128xi32, #tpu.memory_space<vmem>>
      %dma_start3A_249 = tpu.memref_squeeze %dma_start3A_248 : memref<1x128xi32, #tpu.memory_space<vmem>> -> memref<128xi32, #tpu.memory_space<vmem>>
      %dma_start3A_250 = arith.constant 0 : i32
      %dma_start3A_251 = arith.constant 0 : i32
      %dma_start3A_252 = tpu.memref_slice %arg13[%dma_start3A_250, %dma_start3A_251] : memref<10240x64xf32, #tpu.memory_space<vmem_shared>> -> memref<10240x64xf32, #tpu.memory_space<vmem_shared>>
      %dma_start3A_253 = tpu.memref_slice %arg16[%dma_start3A_242] : memref<2x!tpu.dma_semaphore, #tpu.memory_space<semaphore_mem>> -> memref<1x!tpu.dma_semaphore, #tpu.memory_space<semaphore_mem>>
      %dma_start3A_254 = tpu.memref_squeeze %dma_start3A_253 : memref<1x!tpu.dma_semaphore, #tpu.memory_space<semaphore_mem>> -> memref<!tpu.dma_semaphore, #tpu.memory_space<semaphore_mem>>
      tpu.enqueue_indirect_dma source(%dma_start3A_246 : memref<128x64xf32, #tpu.memory_space<vmem>>) target(%dma_start3A_252 : memref<10240x64xf32, #tpu.memory_space<vmem_shared>>) offsets(%dma_start3A_249 : memref<128xi32, #tpu.memory_space<vmem>>) semaphore(%dma_start3A_254 : memref<!tpu.dma_semaphore, #tpu.memory_space<semaphore_mem>>) {add = true}
      %dma_start3A_255 = arith.constant 0 : i32
      %dma_start3A_256 = arith.constant 0 : i32
      %dma_start3A_257 = tpu.memref_slice %arg8[%add3A_226, %dma_start3A_256] : memref<80x128xi32, #tpu.memory_space<vmem>> -> memref<1x128xi32, #tpu.memory_space<vmem>>
      %dma_start3A_258 = tpu.memref_squeeze %dma_start3A_257 : memref<1x128xi32, #tpu.memory_space<vmem>> -> memref<128xi32, #tpu.memory_space<vmem>>
      %dma_start3A_259 = arith.constant 0 : i32
      %dma_start3A_260 = tpu.memref_slice %arg14[%dma_start3A_259] : memref<10240xf32, #tpu.memory_space<vmem_shared>> -> memref<10240xf32, #tpu.memory_space<vmem_shared>>
      %dma_start3A_261 = tpu.memref_slice %arg17[%dma_start3A_255] : memref<2x!tpu.dma_semaphore, #tpu.memory_space<semaphore_mem>> -> memref<1x!tpu.dma_semaphore, #tpu.memory_space<semaphore_mem>>
      %dma_start3A_262 = tpu.memref_squeeze %dma_start3A_261 : memref<1x!tpu.dma_semaphore, #tpu.memory_space<semaphore_mem>> -> memref<!tpu.dma_semaphore, #tpu.memory_space<semaphore_mem>>
      tpu.enqueue_indirect_dma source(%arg10 : memref<128xf32, #tpu.memory_space<vmem>>) target(%dma_start3A_260 : memref<10240xf32, #tpu.memory_space<vmem_shared>>) offsets(%dma_start3A_258 : memref<128xi32, #tpu.memory_space<vmem>>) semaphore(%dma_start3A_262 : memref<!tpu.dma_semaphore, #tpu.memory_space<semaphore_mem>>) {add = true}
      %mul3A_263 = arith.constant 2 : i32
      %mul3A_264 = arith.muli %scan3A_222, %mul3A_263 : i32
      %add3A_265 = arith.constant 1 : i32
      %add3A_266 = arith.addi %mul3A_264, %add3A_265 : i32
      %dma_wait3A_267 = arith.constant 1 : i32
      %dma_wait3A_268 = arith.constant 1 : i32
      %dma_wait3A_269 = arith.constant 0 : i32
      %dma_wait3A_270 = arith.constant 0 : i32
      %dma_wait3A_271 = tpu.memref_slice %arg9[%dma_wait3A_267, %dma_wait3A_269, %dma_wait3A_270] : memref<2x128x64xf32, #tpu.memory_space<vmem>> -> memref<1x128x64xf32, #tpu.memory_space<vmem>>
      %dma_wait3A_272 = tpu.memref_squeeze %dma_wait3A_271 : memref<1x128x64xf32, #tpu.memory_space<vmem>> -> memref<128x64xf32, #tpu.memory_space<vmem>>
      %dma_wait3A_273 = arith.constant 0 : i32
      %dma_wait3A_274 = tpu.memref_slice %arg7[%add3A_266, %dma_wait3A_273] : memref<80x128xi32, #tpu.memory_space<vmem>> -> memref<1x128xi32, #tpu.memory_space<vmem>>
      %dma_wait3A_275 = tpu.memref_squeeze %dma_wait3A_274 : memref<1x128xi32, #tpu.memory_space<vmem>> -> memref<128xi32, #tpu.memory_space<vmem>>
      %dma_wait3A_276 = arith.constant 0 : i32
      %dma_wait3A_277 = arith.constant 0 : i32
      %dma_wait3A_278 = tpu.memref_slice %arg12[%dma_wait3A_276, %dma_wait3A_277] : memref<10240x64xf32, #tpu.memory_space<vmem_shared>> -> memref<10240x64xf32, #tpu.memory_space<vmem_shared>>
      %dma_wait3A_279 = tpu.memref_slice %arg15[%dma_wait3A_268] : memref<2x!tpu.dma_semaphore, #tpu.memory_space<semaphore_mem>> -> memref<1x!tpu.dma_semaphore, #tpu.memory_space<semaphore_mem>>
      %dma_wait3A_280 = tpu.memref_squeeze %dma_wait3A_279 : memref<1x!tpu.dma_semaphore, #tpu.memory_space<semaphore_mem>> -> memref<!tpu.dma_semaphore, #tpu.memory_space<semaphore_mem>>
      tpu.wait_indirect_dma semaphore(%dma_wait3A_280 : memref<!tpu.dma_semaphore, #tpu.memory_space<semaphore_mem>>) src(%dma_wait3A_278 : memref<10240x64xf32, #tpu.memory_space<vmem_shared>>) dst(%dma_wait3A_272 : memref<128x64xf32, #tpu.memory_space<vmem>>)
      %dma_start3A_281 = arith.constant 1 : i32
      %dma_start3A_282 = arith.constant 1 : i32
      %dma_start3A_283 = arith.constant 0 : i32
      %dma_start3A_284 = arith.constant 0 : i32
      %dma_start3A_285 = tpu.memref_slice %arg9[%dma_start3A_281, %dma_start3A_283, %dma_start3A_284] : memref<2x128x64xf32, #tpu.memory_space<vmem>> -> memref<1x128x64xf32, #tpu.memory_space<vmem>>
      %dma_start3A_286 = tpu.memref_squeeze %dma_start3A_285 : memref<1x128x64xf32, #tpu.memory_space<vmem>> -> memref<128x64xf32, #tpu.memory_space<vmem>>
      %dma_start3A_287 = arith.constant 0 : i32
      %dma_start3A_288 = tpu.memref_slice %arg8[%add3A_266, %dma_start3A_287] : memref<80x128xi32, #tpu.memory_space<vmem>> -> memref<1x128xi32, #tpu.memory_space<vmem>>
      %dma_start3A_289 = tpu.memref_squeeze %dma_start3A_288 : memref<1x128xi32, #tpu.memory_space<vmem>> -> memref<128xi32, #tpu.memory_space<vmem>>
      %dma_start3A_290 = arith.constant 0 : i32
      %dma_start3A_291 = arith.constant 0 : i32
      %dma_start3A_292 = tpu.memref_slice %arg13[%dma_start3A_290, %dma_start3A_291] : memref<10240x64xf32, #tpu.memory_space<vmem_shared>> -> memref<10240x64xf32, #tpu.memory_space<vmem_shared>>
      %dma_start3A_293 = tpu.memref_slice %arg16[%dma_start3A_282] : memref<2x!tpu.dma_semaphore, #tpu.memory_space<semaphore_mem>> -> memref<1x!tpu.dma_semaphore, #tpu.memory_space<semaphore_mem>>
      %dma_start3A_294 = tpu.memref_squeeze %dma_start3A_293 : memref<1x!tpu.dma_semaphore, #tpu.memory_space<semaphore_mem>> -> memref<!tpu.dma_semaphore, #tpu.memory_space<semaphore_mem>>
      tpu.enqueue_indirect_dma source(%dma_start3A_286 : memref<128x64xf32, #tpu.memory_space<vmem>>) target(%dma_start3A_292 : memref<10240x64xf32, #tpu.memory_space<vmem_shared>>) offsets(%dma_start3A_289 : memref<128xi32, #tpu.memory_space<vmem>>) semaphore(%dma_start3A_294 : memref<!tpu.dma_semaphore, #tpu.memory_space<semaphore_mem>>) {add = true}
      %dma_start3A_295 = arith.constant 1 : i32
      %dma_start3A_296 = arith.constant 0 : i32
      %dma_start3A_297 = tpu.memref_slice %arg8[%add3A_266, %dma_start3A_296] : memref<80x128xi32, #tpu.memory_space<vmem>> -> memref<1x128xi32, #tpu.memory_space<vmem>>
      %dma_start3A_298 = tpu.memref_squeeze %dma_start3A_297 : memref<1x128xi32, #tpu.memory_space<vmem>> -> memref<128xi32, #tpu.memory_space<vmem>>
      %dma_start3A_299 = arith.constant 0 : i32
      %dma_start3A_300 = tpu.memref_slice %arg14[%dma_start3A_299] : memref<10240xf32, #tpu.memory_space<vmem_shared>> -> memref<10240xf32, #tpu.memory_space<vmem_shared>>
      %dma_start3A_301 = tpu.memref_slice %arg17[%dma_start3A_295] : memref<2x!tpu.dma_semaphore, #tpu.memory_space<semaphore_mem>> -> memref<1x!tpu.dma_semaphore, #tpu.memory_space<semaphore_mem>>
      %dma_start3A_302 = tpu.memref_squeeze %dma_start3A_301 : memref<1x!tpu.dma_semaphore, #tpu.memory_space<semaphore_mem>> -> memref<!tpu.dma_semaphore, #tpu.memory_space<semaphore_mem>>
      tpu.enqueue_indirect_dma source(%arg10 : memref<128xf32, #tpu.memory_space<vmem>>) target(%dma_start3A_300 : memref<10240xf32, #tpu.memory_space<vmem_shared>>) offsets(%dma_start3A_298 : memref<128xi32, #tpu.memory_space<vmem>>) semaphore(%dma_start3A_302 : memref<!tpu.dma_semaphore, #tpu.memory_space<semaphore_mem>>) {add = true}
      %mul3A_303 = arith.constant 2 : i32
      %mul3A_304 = arith.muli %scan3A_222, %mul3A_303 : i32
      %add3A_305 = arith.constant 0 : i32
      %add3A_306 = arith.addi %mul3A_304, %add3A_305 : i32
      %add3A_307 = arith.constant 2 : i32
      %add3A_308 = arith.addi %add3A_306, %add3A_307 : i32
      %dma_wait3A_309 = arith.constant 0 : i32
      %dma_wait3A_310 = arith.constant 0 : i32
      %dma_wait3A_311 = arith.constant 0 : i32
      %dma_wait3A_312 = arith.constant 0 : i32
      %dma_wait3A_313 = tpu.memref_slice %arg9[%dma_wait3A_309, %dma_wait3A_311, %dma_wait3A_312] : memref<2x128x64xf32, #tpu.memory_space<vmem>> -> memref<1x128x64xf32, #tpu.memory_space<vmem>>
      %dma_wait3A_314 = tpu.memref_squeeze %dma_wait3A_313 : memref<1x128x64xf32, #tpu.memory_space<vmem>> -> memref<128x64xf32, #tpu.memory_space<vmem>>
      %dma_wait3A_315 = arith.constant 0 : i32
      %dma_wait3A_316 = tpu.memref_slice %arg8[%add3A_306, %dma_wait3A_315] : memref<80x128xi32, #tpu.memory_space<vmem>> -> memref<1x128xi32, #tpu.memory_space<vmem>>
      %dma_wait3A_317 = tpu.memref_squeeze %dma_wait3A_316 : memref<1x128xi32, #tpu.memory_space<vmem>> -> memref<128xi32, #tpu.memory_space<vmem>>
      %dma_wait3A_318 = arith.constant 0 : i32
      %dma_wait3A_319 = arith.constant 0 : i32
      %dma_wait3A_320 = tpu.memref_slice %arg13[%dma_wait3A_318, %dma_wait3A_319] : memref<10240x64xf32, #tpu.memory_space<vmem_shared>> -> memref<10240x64xf32, #tpu.memory_space<vmem_shared>>
      %dma_wait3A_321 = tpu.memref_slice %arg16[%dma_wait3A_310] : memref<2x!tpu.dma_semaphore, #tpu.memory_space<semaphore_mem>> -> memref<1x!tpu.dma_semaphore, #tpu.memory_space<semaphore_mem>>
      %dma_wait3A_322 = tpu.memref_squeeze %dma_wait3A_321 : memref<1x!tpu.dma_semaphore, #tpu.memory_space<semaphore_mem>> -> memref<!tpu.dma_semaphore, #tpu.memory_space<semaphore_mem>>
      tpu.wait_indirect_dma semaphore(%dma_wait3A_322 : memref<!tpu.dma_semaphore, #tpu.memory_space<semaphore_mem>>) src(%dma_wait3A_314 : memref<128x64xf32, #tpu.memory_space<vmem>>) dst(%dma_wait3A_320 : memref<10240x64xf32, #tpu.memory_space<vmem_shared>>)
      %dma_wait3A_323 = arith.constant 0 : i32
      %dma_wait3A_324 = arith.constant 0 : i32
      %dma_wait3A_325 = tpu.memref_slice %arg8[%add3A_306, %dma_wait3A_324] : memref<80x128xi32, #tpu.memory_space<vmem>> -> memref<1x128xi32, #tpu.memory_space<vmem>>
      %dma_wait3A_326 = tpu.memref_squeeze %dma_wait3A_325 : memref<1x128xi32, #tpu.memory_space<vmem>> -> memref<128xi32, #tpu.memory_space<vmem>>
      %dma_wait3A_327 = arith.constant 0 : i32
      %dma_wait3A_328 = tpu.memref_slice %arg14[%dma_wait3A_327] : memref<10240xf32, #tpu.memory_space<vmem_shared>> -> memref<10240xf32, #tpu.memory_space<vmem_shared>>
      %dma_wait3A_329 = tpu.memref_slice %arg17[%dma_wait3A_323] : memref<2x!tpu.dma_semaphore, #tpu.memory_space<semaphore_mem>> -> memref<1x!tpu.dma_semaphore, #tpu.memory_space<semaphore_mem>>
      %dma_wait3A_330 = tpu.memref_squeeze %dma_wait3A_329 : memref<1x!tpu.dma_semaphore, #tpu.memory_space<semaphore_mem>> -> memref<!tpu.dma_semaphore, #tpu.memory_space<semaphore_mem>>
      tpu.wait_indirect_dma semaphore(%dma_wait3A_330 : memref<!tpu.dma_semaphore, #tpu.memory_space<semaphore_mem>>) src(%arg10 : memref<128xf32, #tpu.memory_space<vmem>>) dst(%dma_wait3A_328 : memref<10240xf32, #tpu.memory_space<vmem_shared>>)
      %dma_start3A_331 = arith.constant 0 : i32
      %dma_start3A_332 = arith.constant 0 : i32
      %dma_start3A_333 = arith.constant 0 : i32
      %dma_start3A_334 = arith.constant 0 : i32
      %dma_start3A_335 = tpu.memref_slice %arg9[%dma_start3A_331, %dma_start3A_333, %dma_start3A_334] : memref<2x128x64xf32, #tpu.memory_space<vmem>> -> memref<1x128x64xf32, #tpu.memory_space<vmem>>
      %dma_start3A_336 = tpu.memref_squeeze %dma_start3A_335 : memref<1x128x64xf32, #tpu.memory_space<vmem>> -> memref<128x64xf32, #tpu.memory_space<vmem>>
      %dma_start3A_337 = arith.constant 0 : i32
      %dma_start3A_338 = tpu.memref_slice %arg7[%add3A_308, %dma_start3A_337] : memref<80x128xi32, #tpu.memory_space<vmem>> -> memref<1x128xi32, #tpu.memory_space<vmem>>
      %dma_start3A_339 = tpu.memref_squeeze %dma_start3A_338 : memref<1x128xi32, #tpu.memory_space<vmem>> -> memref<128xi32, #tpu.memory_space<vmem>>
      %dma_start3A_340 = arith.constant 0 : i32
      %dma_start3A_341 = arith.constant 0 : i32
      %dma_start3A_342 = tpu.memref_slice %arg12[%dma_start3A_340, %dma_start3A_341] : memref<10240x64xf32, #tpu.memory_space<vmem_shared>> -> memref<10240x64xf32, #tpu.memory_space<vmem_shared>>
      %dma_start3A_343 = tpu.memref_slice %arg15[%dma_start3A_332] : memref<2x!tpu.dma_semaphore, #tpu.memory_space<semaphore_mem>> -> memref<1x!tpu.dma_semaphore, #tpu.memory_space<semaphore_mem>>
      %dma_start3A_344 = tpu.memref_squeeze %dma_start3A_343 : memref<1x!tpu.dma_semaphore, #tpu.memory_space<semaphore_mem>> -> memref<!tpu.dma_semaphore, #tpu.memory_space<semaphore_mem>>
      tpu.enqueue_indirect_dma source(%dma_start3A_342 : memref<10240x64xf32, #tpu.memory_space<vmem_shared>>) target(%dma_start3A_336 : memref<128x64xf32, #tpu.memory_space<vmem>>) offsets(%dma_start3A_339 : memref<128xi32, #tpu.memory_space<vmem>>) semaphore(%dma_start3A_344 : memref<!tpu.dma_semaphore, #tpu.memory_space<semaphore_mem>>)
      %mul3A_345 = arith.constant 2 : i32
      %mul3A_346 = arith.muli %scan3A_222, %mul3A_345 : i32
      %add3A_347 = arith.constant 1 : i32
      %add3A_348 = arith.addi %mul3A_346, %add3A_347 : i32
      %add3A_349 = arith.constant 2 : i32
      %add3A_350 = arith.addi %add3A_348, %add3A_349 : i32
      %dma_wait3A_351 = arith.constant 1 : i32
      %dma_wait3A_352 = arith.constant 1 : i32
      %dma_wait3A_353 = arith.constant 0 : i32
      %dma_wait3A_354 = arith.constant 0 : i32
      %dma_wait3A_355 = tpu.memref_slice %arg9[%dma_wait3A_351, %dma_wait3A_353, %dma_wait3A_354] : memref<2x128x64xf32, #tpu.memory_space<vmem>> -> memref<1x128x64xf32, #tpu.memory_space<vmem>>
      %dma_wait3A_356 = tpu.memref_squeeze %dma_wait3A_355 : memref<1x128x64xf32, #tpu.memory_space<vmem>> -> memref<128x64xf32, #tpu.memory_space<vmem>>
      %dma_wait3A_357 = arith.constant 0 : i32
      %dma_wait3A_358 = tpu.memref_slice %arg8[%add3A_348, %dma_wait3A_357] : memref<80x128xi32, #tpu.memory_space<vmem>> -> memref<1x128xi32, #tpu.memory_space<vmem>>
      %dma_wait3A_359 = tpu.memref_squeeze %dma_wait3A_358 : memref<1x128xi32, #tpu.memory_space<vmem>> -> memref<128xi32, #tpu.memory_space<vmem>>
      %dma_wait3A_360 = arith.constant 0 : i32
      %dma_wait3A_361 = arith.constant 0 : i32
      %dma_wait3A_362 = tpu.memref_slice %arg13[%dma_wait3A_360, %dma_wait3A_361] : memref<10240x64xf32, #tpu.memory_space<vmem_shared>> -> memref<10240x64xf32, #tpu.memory_space<vmem_shared>>
      %dma_wait3A_363 = tpu.memref_slice %arg16[%dma_wait3A_352] : memref<2x!tpu.dma_semaphore, #tpu.memory_space<semaphore_mem>> -> memref<1x!tpu.dma_semaphore, #tpu.memory_space<semaphore_mem>>
      %dma_wait3A_364 = tpu.memref_squeeze %dma_wait3A_363 : memref<1x!tpu.dma_semaphore, #tpu.memory_space<semaphore_mem>> -> memref<!tpu.dma_semaphore, #tpu.memory_space<semaphore_mem>>
      tpu.wait_indirect_dma semaphore(%dma_wait3A_364 : memref<!tpu.dma_semaphore, #tpu.memory_space<semaphore_mem>>) src(%dma_wait3A_356 : memref<128x64xf32, #tpu.memory_space<vmem>>) dst(%dma_wait3A_362 : memref<10240x64xf32, #tpu.memory_space<vmem_shared>>)
      %dma_wait3A_365 = arith.constant 1 : i32
      %dma_wait3A_366 = arith.constant 0 : i32
      %dma_wait3A_367 = tpu.memref_slice %arg8[%add3A_348, %dma_wait3A_366] : memref<80x128xi32, #tpu.memory_space<vmem>> -> memref<1x128xi32, #tpu.memory_space<vmem>>
      %dma_wait3A_368 = tpu.memref_squeeze %dma_wait3A_367 : memref<1x128xi32, #tpu.memory_space<vmem>> -> memref<128xi32, #tpu.memory_space<vmem>>
      %dma_wait3A_369 = arith.constant 0 : i32
      %dma_wait3A_370 = tpu.memref_slice %arg14[%dma_wait3A_369] : memref<10240xf32, #tpu.memory_space<vmem_shared>> -> memref<10240xf32, #tpu.memory_space<vmem_shared>>
      %dma_wait3A_371 = tpu.memref_slice %arg17[%dma_wait3A_365] : memref<2x!tpu.dma_semaphore, #tpu.memory_space<semaphore_mem>> -> memref<1x!tpu.dma_semaphore, #tpu.memory_space<semaphore_mem>>
      %dma_wait3A_372 = tpu.memref_squeeze %dma_wait3A_371 : memref<1x!tpu.dma_semaphore, #tpu.memory_space<semaphore_mem>> -> memref<!tpu.dma_semaphore, #tpu.memory_space<semaphore_mem>>
      tpu.wait_indirect_dma semaphore(%dma_wait3A_372 : memref<!tpu.dma_semaphore, #tpu.memory_space<semaphore_mem>>) src(%arg10 : memref<128xf32, #tpu.memory_space<vmem>>) dst(%dma_wait3A_370 : memref<10240xf32, #tpu.memory_space<vmem_shared>>)
      %dma_start3A_373 = arith.constant 1 : i32
      %dma_start3A_374 = arith.constant 1 : i32
      %dma_start3A_375 = arith.constant 0 : i32
      %dma_start3A_376 = arith.constant 0 : i32
      %dma_start3A_377 = tpu.memref_slice %arg9[%dma_start3A_373, %dma_start3A_375, %dma_start3A_376] : memref<2x128x64xf32, #tpu.memory_space<vmem>> -> memref<1x128x64xf32, #tpu.memory_space<vmem>>
      %dma_start3A_378 = tpu.memref_squeeze %dma_start3A_377 : memref<1x128x64xf32, #tpu.memory_space<vmem>> -> memref<128x64xf32, #tpu.memory_space<vmem>>
      %dma_start3A_379 = arith.constant 0 : i32
      %dma_start3A_380 = tpu.memref_slice %arg7[%add3A_350, %dma_start3A_379] : memref<80x128xi32, #tpu.memory_space<vmem>> -> memref<1x128xi32, #tpu.memory_space<vmem>>
      %dma_start3A_381 = tpu.memref_squeeze %dma_start3A_380 : memref<1x128xi32, #tpu.memory_space<vmem>> -> memref<128xi32, #tpu.memory_space<vmem>>
      %dma_start3A_382 = arith.constant 0 : i32
      %dma_start3A_383 = arith.constant 0 : i32
      %dma_start3A_384 = tpu.memref_slice %arg12[%dma_start3A_382, %dma_start3A_383] : memref<10240x64xf32, #tpu.memory_space<vmem_shared>> -> memref<10240x64xf32, #tpu.memory_space<vmem_shared>>
      %dma_start3A_385 = tpu.memref_slice %arg15[%dma_start3A_374] : memref<2x!tpu.dma_semaphore, #tpu.memory_space<semaphore_mem>> -> memref<1x!tpu.dma_semaphore, #tpu.memory_space<semaphore_mem>>
      %dma_start3A_386 = tpu.memref_squeeze %dma_start3A_385 : memref<1x!tpu.dma_semaphore, #tpu.memory_space<semaphore_mem>> -> memref<!tpu.dma_semaphore, #tpu.memory_space<semaphore_mem>>
      tpu.enqueue_indirect_dma source(%dma_start3A_384 : memref<10240x64xf32, #tpu.memory_space<vmem_shared>>) target(%dma_start3A_378 : memref<128x64xf32, #tpu.memory_space<vmem>>) offsets(%dma_start3A_381 : memref<128xi32, #tpu.memory_space<vmem>>) semaphore(%dma_start3A_386 : memref<!tpu.dma_semaphore, #tpu.memory_space<semaphore_mem>>)
    }
    %scan3A_87 = arith.constant 39 : i32
    %dma_wait3A = arith.constant 78 : i32
    %dma_wait3A_88 = arith.constant 0 : i32
    %dma_wait3A_89 = arith.constant 0 : i32
    %dma_wait3A_90 = arith.constant 0 : i32
    %dma_wait3A_91 = arith.constant 0 : i32
    %dma_wait3A_92 = tpu.memref_slice %arg9[%dma_wait3A_88, %dma_wait3A_90, %dma_wait3A_91] : memref<2x128x64xf32, #tpu.memory_space<vmem>> -> memref<1x128x64xf32, #tpu.memory_space<vmem>>
    %dma_wait3A_93 = tpu.memref_squeeze %dma_wait3A_92 : memref<1x128x64xf32, #tpu.memory_space<vmem>> -> memref<128x64xf32, #tpu.memory_space<vmem>>
    %dma_wait3A_94 = arith.constant 0 : i32
    %dma_wait3A_95 = tpu.memref_slice %arg7[%dma_wait3A, %dma_wait3A_94] : memref<80x128xi32, #tpu.memory_space<vmem>> -> memref<1x128xi32, #tpu.memory_space<vmem>>
    %dma_wait3A_96 = tpu.memref_squeeze %dma_wait3A_95 : memref<1x128xi32, #tpu.memory_space<vmem>> -> memref<128xi32, #tpu.memory_space<vmem>>
    %dma_wait3A_97 = arith.constant 0 : i32
    %dma_wait3A_98 = arith.constant 0 : i32
    %dma_wait3A_99 = tpu.memref_slice %arg12[%dma_wait3A_97, %dma_wait3A_98] : memref<10240x64xf32, #tpu.memory_space<vmem_shared>> -> memref<10240x64xf32, #tpu.memory_space<vmem_shared>>
    %dma_wait3A_100 = tpu.memref_slice %arg15[%dma_wait3A_89] : memref<2x!tpu.dma_semaphore, #tpu.memory_space<semaphore_mem>> -> memref<1x!tpu.dma_semaphore, #tpu.memory_space<semaphore_mem>>
    %dma_wait3A_101 = tpu.memref_squeeze %dma_wait3A_100 : memref<1x!tpu.dma_semaphore, #tpu.memory_space<semaphore_mem>> -> memref<!tpu.dma_semaphore, #tpu.memory_space<semaphore_mem>>
    tpu.wait_indirect_dma semaphore(%dma_wait3A_101 : memref<!tpu.dma_semaphore, #tpu.memory_space<semaphore_mem>>) src(%dma_wait3A_99 : memref<10240x64xf32, #tpu.memory_space<vmem_shared>>) dst(%dma_wait3A_93 : memref<128x64xf32, #tpu.memory_space<vmem>>)
    %dma_start3A_102 = arith.constant 0 : i32
    %dma_start3A_103 = arith.constant 78 : i32
    %dma_start3A_104 = arith.constant 0 : i32
    %dma_start3A_105 = arith.constant 0 : i32
    %dma_start3A_106 = arith.constant 0 : i32
    %dma_start3A_107 = tpu.memref_slice %arg9[%dma_start3A_102, %dma_start3A_105, %dma_start3A_106] : memref<2x128x64xf32, #tpu.memory_space<vmem>> -> memref<1x128x64xf32, #tpu.memory_space<vmem>>
    %dma_start3A_108 = tpu.memref_squeeze %dma_start3A_107 : memref<1x128x64xf32, #tpu.memory_space<vmem>> -> memref<128x64xf32, #tpu.memory_space<vmem>>
    %dma_start3A_109 = arith.constant 0 : i32
    %dma_start3A_110 = tpu.memref_slice %arg8[%dma_start3A_103, %dma_start3A_109] : memref<80x128xi32, #tpu.memory_space<vmem>> -> memref<1x128xi32, #tpu.memory_space<vmem>>
    %dma_start3A_111 = tpu.memref_squeeze %dma_start3A_110 : memref<1x128xi32, #tpu.memory_space<vmem>> -> memref<128xi32, #tpu.memory_space<vmem>>
    %dma_start3A_112 = arith.constant 0 : i32
    %dma_start3A_113 = arith.constant 0 : i32
    %dma_start3A_114 = tpu.memref_slice %arg13[%dma_start3A_112, %dma_start3A_113] : memref<10240x64xf32, #tpu.memory_space<vmem_shared>> -> memref<10240x64xf32, #tpu.memory_space<vmem_shared>>
    %dma_start3A_115 = tpu.memref_slice %arg16[%dma_start3A_104] : memref<2x!tpu.dma_semaphore, #tpu.memory_space<semaphore_mem>> -> memref<1x!tpu.dma_semaphore, #tpu.memory_space<semaphore_mem>>
    %dma_start3A_116 = tpu.memref_squeeze %dma_start3A_115 : memref<1x!tpu.dma_semaphore, #tpu.memory_space<semaphore_mem>> -> memref<!tpu.dma_semaphore, #tpu.memory_space<semaphore_mem>>
    tpu.enqueue_indirect_dma source(%dma_start3A_108 : memref<128x64xf32, #tpu.memory_space<vmem>>) target(%dma_start3A_114 : memref<10240x64xf32, #tpu.memory_space<vmem_shared>>) offsets(%dma_start3A_111 : memref<128xi32, #tpu.memory_space<vmem>>) semaphore(%dma_start3A_116 : memref<!tpu.dma_semaphore, #tpu.memory_space<semaphore_mem>>) {add = true}
    %dma_start3A_117 = arith.constant 78 : i32
    %dma_start3A_118 = arith.constant 0 : i32
    %dma_start3A_119 = arith.constant 0 : i32
    %dma_start3A_120 = tpu.memref_slice %arg8[%dma_start3A_117, %dma_start3A_119] : memref<80x128xi32, #tpu.memory_space<vmem>> -> memref<1x128xi32, #tpu.memory_space<vmem>>
    %dma_start3A_121 = tpu.memref_squeeze %dma_start3A_120 : memref<1x128xi32, #tpu.memory_space<vmem>> -> memref<128xi32, #tpu.memory_space<vmem>>
    %dma_start3A_122 = arith.constant 0 : i32
    %dma_start3A_123 = tpu.memref_slice %arg14[%dma_start3A_122] : memref<10240xf32, #tpu.memory_space<vmem_shared>> -> memref<10240xf32, #tpu.memory_space<vmem_shared>>
    %dma_start3A_124 = tpu.memref_slice %arg17[%dma_start3A_118] : memref<2x!tpu.dma_semaphore, #tpu.memory_space<semaphore_mem>> -> memref<1x!tpu.dma_semaphore, #tpu.memory_space<semaphore_mem>>
    %dma_start3A_125 = tpu.memref_squeeze %dma_start3A_124 : memref<1x!tpu.dma_semaphore, #tpu.memory_space<semaphore_mem>> -> memref<!tpu.dma_semaphore, #tpu.memory_space<semaphore_mem>>
    tpu.enqueue_indirect_dma source(%arg10 : memref<128xf32, #tpu.memory_space<vmem>>) target(%dma_start3A_123 : memref<10240xf32, #tpu.memory_space<vmem_shared>>) offsets(%dma_start3A_121 : memref<128xi32, #tpu.memory_space<vmem>>) semaphore(%dma_start3A_125 : memref<!tpu.dma_semaphore, #tpu.memory_space<semaphore_mem>>) {add = true}
    %dma_wait3A_126 = arith.constant 79 : i32
    %dma_wait3A_127 = arith.constant 1 : i32
    %dma_wait3A_128 = arith.constant 1 : i32
    %dma_wait3A_129 = arith.constant 0 : i32
    %dma_wait3A_130 = arith.constant 0 : i32
    %dma_wait3A_131 = tpu.memref_slice %arg9[%dma_wait3A_127, %dma_wait3A_129, %dma_wait3A_130] : memref<2x128x64xf32, #tpu.memory_space<vmem>> -> memref<1x128x64xf32, #tpu.memory_space<vmem>>
    %dma_wait3A_132 = tpu.memref_squeeze %dma_wait3A_131 : memref<1x128x64xf32, #tpu.memory_space<vmem>> -> memref<128x64xf32, #tpu.memory_space<vmem>>
    %dma_wait3A_133 = arith.constant 0 : i32
    %dma_wait3A_134 = tpu.memref_slice %arg7[%dma_wait3A_126, %dma_wait3A_133] : memref<80x128xi32, #tpu.memory_space<vmem>> -> memref<1x128xi32, #tpu.memory_space<vmem>>
    %dma_wait3A_135 = tpu.memref_squeeze %dma_wait3A_134 : memref<1x128xi32, #tpu.memory_space<vmem>> -> memref<128xi32, #tpu.memory_space<vmem>>
    %dma_wait3A_136 = arith.constant 0 : i32
    %dma_wait3A_137 = arith.constant 0 : i32
    %dma_wait3A_138 = tpu.memref_slice %arg12[%dma_wait3A_136, %dma_wait3A_137] : memref<10240x64xf32, #tpu.memory_space<vmem_shared>> -> memref<10240x64xf32, #tpu.memory_space<vmem_shared>>
    %dma_wait3A_139 = tpu.memref_slice %arg15[%dma_wait3A_128] : memref<2x!tpu.dma_semaphore, #tpu.memory_space<semaphore_mem>> -> memref<1x!tpu.dma_semaphore, #tpu.memory_space<semaphore_mem>>
    %dma_wait3A_140 = tpu.memref_squeeze %dma_wait3A_139 : memref<1x!tpu.dma_semaphore, #tpu.memory_space<semaphore_mem>> -> memref<!tpu.dma_semaphore, #tpu.memory_space<semaphore_mem>>
    tpu.wait_indirect_dma semaphore(%dma_wait3A_140 : memref<!tpu.dma_semaphore, #tpu.memory_space<semaphore_mem>>) src(%dma_wait3A_138 : memref<10240x64xf32, #tpu.memory_space<vmem_shared>>) dst(%dma_wait3A_132 : memref<128x64xf32, #tpu.memory_space<vmem>>)
    %dma_start3A_141 = arith.constant 1 : i32
    %dma_start3A_142 = arith.constant 79 : i32
    %dma_start3A_143 = arith.constant 1 : i32
    %dma_start3A_144 = arith.constant 0 : i32
    %dma_start3A_145 = arith.constant 0 : i32
    %dma_start3A_146 = tpu.memref_slice %arg9[%dma_start3A_141, %dma_start3A_144, %dma_start3A_145] : memref<2x128x64xf32, #tpu.memory_space<vmem>> -> memref<1x128x64xf32, #tpu.memory_space<vmem>>
    %dma_start3A_147 = tpu.memref_squeeze %dma_start3A_146 : memref<1x128x64xf32, #tpu.memory_space<vmem>> -> memref<128x64xf32, #tpu.memory_space<vmem>>
    %dma_start3A_148 = arith.constant 0 : i32
    %dma_start3A_149 = tpu.memref_slice %arg8[%dma_start3A_142, %dma_start3A_148] : memref<80x128xi32, #tpu.memory_space<vmem>> -> memref<1x128xi32, #tpu.memory_space<vmem>>
    %dma_start3A_150 = tpu.memref_squeeze %dma_start3A_149 : memref<1x128xi32, #tpu.memory_space<vmem>> -> memref<128xi32, #tpu.memory_space<vmem>>
    %dma_start3A_151 = arith.constant 0 : i32
    %dma_start3A_152 = arith.constant 0 : i32
    %dma_start3A_153 = tpu.memref_slice %arg13[%dma_start3A_151, %dma_start3A_152] : memref<10240x64xf32, #tpu.memory_space<vmem_shared>> -> memref<10240x64xf32, #tpu.memory_space<vmem_shared>>
    %dma_start3A_154 = tpu.memref_slice %arg16[%dma_start3A_143] : memref<2x!tpu.dma_semaphore, #tpu.memory_space<semaphore_mem>> -> memref<1x!tpu.dma_semaphore, #tpu.memory_space<semaphore_mem>>
    %dma_start3A_155 = tpu.memref_squeeze %dma_start3A_154 : memref<1x!tpu.dma_semaphore, #tpu.memory_space<semaphore_mem>> -> memref<!tpu.dma_semaphore, #tpu.memory_space<semaphore_mem>>
    tpu.enqueue_indirect_dma source(%dma_start3A_147 : memref<128x64xf32, #tpu.memory_space<vmem>>) target(%dma_start3A_153 : memref<10240x64xf32, #tpu.memory_space<vmem_shared>>) offsets(%dma_start3A_150 : memref<128xi32, #tpu.memory_space<vmem>>) semaphore(%dma_start3A_155 : memref<!tpu.dma_semaphore, #tpu.memory_space<semaphore_mem>>) {add = true}
    %dma_start3A_156 = arith.constant 79 : i32
    %dma_start3A_157 = arith.constant 1 : i32
    %dma_start3A_158 = arith.constant 0 : i32
    %dma_start3A_159 = tpu.memref_slice %arg8[%dma_start3A_156, %dma_start3A_158] : memref<80x128xi32, #tpu.memory_space<vmem>> -> memref<1x128xi32, #tpu.memory_space<vmem>>
    %dma_start3A_160 = tpu.memref_squeeze %dma_start3A_159 : memref<1x128xi32, #tpu.memory_space<vmem>> -> memref<128xi32, #tpu.memory_space<vmem>>
    %dma_start3A_161 = arith.constant 0 : i32
    %dma_start3A_162 = tpu.memref_slice %arg14[%dma_start3A_161] : memref<10240xf32, #tpu.memory_space<vmem_shared>> -> memref<10240xf32, #tpu.memory_space<vmem_shared>>
    %dma_start3A_163 = tpu.memref_slice %arg17[%dma_start3A_157] : memref<2x!tpu.dma_semaphore, #tpu.memory_space<semaphore_mem>> -> memref<1x!tpu.dma_semaphore, #tpu.memory_space<semaphore_mem>>
    %dma_start3A_164 = tpu.memref_squeeze %dma_start3A_163 : memref<1x!tpu.dma_semaphore, #tpu.memory_space<semaphore_mem>> -> memref<!tpu.dma_semaphore, #tpu.memory_space<semaphore_mem>>
    tpu.enqueue_indirect_dma source(%arg10 : memref<128xf32, #tpu.memory_space<vmem>>) target(%dma_start3A_162 : memref<10240xf32, #tpu.memory_space<vmem_shared>>) offsets(%dma_start3A_160 : memref<128xi32, #tpu.memory_space<vmem>>) semaphore(%dma_start3A_164 : memref<!tpu.dma_semaphore, #tpu.memory_space<semaphore_mem>>) {add = true}
    %dma_wait3A_165 = arith.constant 0 : i32
    %dma_wait3A_166 = arith.constant 78 : i32
    %dma_wait3A_167 = arith.constant 0 : i32
    %dma_wait3A_168 = arith.constant 0 : i32
    %dma_wait3A_169 = arith.constant 0 : i32
    %dma_wait3A_170 = tpu.memref_slice %arg9[%dma_wait3A_165, %dma_wait3A_168, %dma_wait3A_169] : memref<2x128x64xf32, #tpu.memory_space<vmem>> -> memref<1x128x64xf32, #tpu.memory_space<vmem>>
    %dma_wait3A_171 = tpu.memref_squeeze %dma_wait3A_170 : memref<1x128x64xf32, #tpu.memory_space<vmem>> -> memref<128x64xf32, #tpu.memory_space<vmem>>
    %dma_wait3A_172 = arith.constant 0 : i32
    %dma_wait3A_173 = tpu.memref_slice %arg8[%dma_wait3A_166, %dma_wait3A_172] : memref<80x128xi32, #tpu.memory_space<vmem>> -> memref<1x128xi32, #tpu.memory_space<vmem>>
    %dma_wait3A_174 = tpu.memref_squeeze %dma_wait3A_173 : memref<1x128xi32, #tpu.memory_space<vmem>> -> memref<128xi32, #tpu.memory_space<vmem>>
    %dma_wait3A_175 = arith.constant 0 : i32
    %dma_wait3A_176 = arith.constant 0 : i32
    %dma_wait3A_177 = tpu.memref_slice %arg13[%dma_wait3A_175, %dma_wait3A_176] : memref<10240x64xf32, #tpu.memory_space<vmem_shared>> -> memref<10240x64xf32, #tpu.memory_space<vmem_shared>>
    %dma_wait3A_178 = tpu.memref_slice %arg16[%dma_wait3A_167] : memref<2x!tpu.dma_semaphore, #tpu.memory_space<semaphore_mem>> -> memref<1x!tpu.dma_semaphore, #tpu.memory_space<semaphore_mem>>
    %dma_wait3A_179 = tpu.memref_squeeze %dma_wait3A_178 : memref<1x!tpu.dma_semaphore, #tpu.memory_space<semaphore_mem>> -> memref<!tpu.dma_semaphore, #tpu.memory_space<semaphore_mem>>
    tpu.wait_indirect_dma semaphore(%dma_wait3A_179 : memref<!tpu.dma_semaphore, #tpu.memory_space<semaphore_mem>>) src(%dma_wait3A_171 : memref<128x64xf32, #tpu.memory_space<vmem>>) dst(%dma_wait3A_177 : memref<10240x64xf32, #tpu.memory_space<vmem_shared>>)
    %dma_wait3A_180 = arith.constant 78 : i32
    %dma_wait3A_181 = arith.constant 0 : i32
    %dma_wait3A_182 = arith.constant 0 : i32
    %dma_wait3A_183 = tpu.memref_slice %arg8[%dma_wait3A_180, %dma_wait3A_182] : memref<80x128xi32, #tpu.memory_space<vmem>> -> memref<1x128xi32, #tpu.memory_space<vmem>>
    %dma_wait3A_184 = tpu.memref_squeeze %dma_wait3A_183 : memref<1x128xi32, #tpu.memory_space<vmem>> -> memref<128xi32, #tpu.memory_space<vmem>>
    %dma_wait3A_185 = arith.constant 0 : i32
    %dma_wait3A_186 = tpu.memref_slice %arg14[%dma_wait3A_185] : memref<10240xf32, #tpu.memory_space<vmem_shared>> -> memref<10240xf32, #tpu.memory_space<vmem_shared>>
    %dma_wait3A_187 = tpu.memref_slice %arg17[%dma_wait3A_181] : memref<2x!tpu.dma_semaphore, #tpu.memory_space<semaphore_mem>> -> memref<1x!tpu.dma_semaphore, #tpu.memory_space<semaphore_mem>>
    %dma_wait3A_188 = tpu.memref_squeeze %dma_wait3A_187 : memref<1x!tpu.dma_semaphore, #tpu.memory_space<semaphore_mem>> -> memref<!tpu.dma_semaphore, #tpu.memory_space<semaphore_mem>>
    tpu.wait_indirect_dma semaphore(%dma_wait3A_188 : memref<!tpu.dma_semaphore, #tpu.memory_space<semaphore_mem>>) src(%arg10 : memref<128xf32, #tpu.memory_space<vmem>>) dst(%dma_wait3A_186 : memref<10240xf32, #tpu.memory_space<vmem_shared>>)
    %dma_wait3A_189 = arith.constant 1 : i32
    %dma_wait3A_190 = arith.constant 79 : i32
    %dma_wait3A_191 = arith.constant 1 : i32
    %dma_wait3A_192 = arith.constant 0 : i32
    %dma_wait3A_193 = arith.constant 0 : i32
    %dma_wait3A_194 = tpu.memref_slice %arg9[%dma_wait3A_189, %dma_wait3A_192, %dma_wait3A_193] : memref<2x128x64xf32, #tpu.memory_space<vmem>> -> memref<1x128x64xf32, #tpu.memory_space<vmem>>
    %dma_wait3A_195 = tpu.memref_squeeze %dma_wait3A_194 : memref<1x128x64xf32, #tpu.memory_space<vmem>> -> memref<128x64xf32, #tpu.memory_space<vmem>>
    %dma_wait3A_196 = arith.constant 0 : i32
    %dma_wait3A_197 = tpu.memref_slice %arg8[%dma_wait3A_190, %dma_wait3A_196] : memref<80x128xi32, #tpu.memory_space<vmem>> -> memref<1x128xi32, #tpu.memory_space<vmem>>
    %dma_wait3A_198 = tpu.memref_squeeze %dma_wait3A_197 : memref<1x128xi32, #tpu.memory_space<vmem>> -> memref<128xi32, #tpu.memory_space<vmem>>
    %dma_wait3A_199 = arith.constant 0 : i32
    %dma_wait3A_200 = arith.constant 0 : i32
    %dma_wait3A_201 = tpu.memref_slice %arg13[%dma_wait3A_199, %dma_wait3A_200] : memref<10240x64xf32, #tpu.memory_space<vmem_shared>> -> memref<10240x64xf32, #tpu.memory_space<vmem_shared>>
    %dma_wait3A_202 = tpu.memref_slice %arg16[%dma_wait3A_191] : memref<2x!tpu.dma_semaphore, #tpu.memory_space<semaphore_mem>> -> memref<1x!tpu.dma_semaphore, #tpu.memory_space<semaphore_mem>>
    %dma_wait3A_203 = tpu.memref_squeeze %dma_wait3A_202 : memref<1x!tpu.dma_semaphore, #tpu.memory_space<semaphore_mem>> -> memref<!tpu.dma_semaphore, #tpu.memory_space<semaphore_mem>>
    tpu.wait_indirect_dma semaphore(%dma_wait3A_203 : memref<!tpu.dma_semaphore, #tpu.memory_space<semaphore_mem>>) src(%dma_wait3A_195 : memref<128x64xf32, #tpu.memory_space<vmem>>) dst(%dma_wait3A_201 : memref<10240x64xf32, #tpu.memory_space<vmem_shared>>)
    %dma_wait3A_204 = arith.constant 79 : i32
    %dma_wait3A_205 = arith.constant 1 : i32
    %dma_wait3A_206 = arith.constant 0 : i32
    %dma_wait3A_207 = tpu.memref_slice %arg8[%dma_wait3A_204, %dma_wait3A_206] : memref<80x128xi32, #tpu.memory_space<vmem>> -> memref<1x128xi32, #tpu.memory_space<vmem>>
    %dma_wait3A_208 = tpu.memref_squeeze %dma_wait3A_207 : memref<1x128xi32, #tpu.memory_space<vmem>> -> memref<128xi32, #tpu.memory_space<vmem>>
    %dma_wait3A_209 = arith.constant 0 : i32
    %dma_wait3A_210 = tpu.memref_slice %arg14[%dma_wait3A_209] : memref<10240xf32, #tpu.memory_space<vmem_shared>> -> memref<10240xf32, #tpu.memory_space<vmem_shared>>
    %dma_wait3A_211 = tpu.memref_slice %arg17[%dma_wait3A_205] : memref<2x!tpu.dma_semaphore, #tpu.memory_space<semaphore_mem>> -> memref<1x!tpu.dma_semaphore, #tpu.memory_space<semaphore_mem>>
    %dma_wait3A_212 = tpu.memref_squeeze %dma_wait3A_211 : memref<1x!tpu.dma_semaphore, #tpu.memory_space<semaphore_mem>> -> memref<!tpu.dma_semaphore, #tpu.memory_space<semaphore_mem>>
    tpu.wait_indirect_dma semaphore(%dma_wait3A_212 : memref<!tpu.dma_semaphore, #tpu.memory_space<semaphore_mem>>) src(%arg10 : memref<128xf32, #tpu.memory_space<vmem>>) dst(%dma_wait3A_210 : memref<10240xf32, #tpu.memory_space<vmem_shared>>)
    %barrier3A_213 = arith.constant 0 : index
    tpu.barrier barrier_id(%barrier3A_213)
    %mul3A_214 = arith.constant 640 : i32
    %mul3A_215 = arith.muli %arg1, %mul3A_214 : i32
    %mul3A_216 = arith.constant 640 : i32
    %mul3A_217 = arith.muli %arg1, %mul3A_216 : i32
    "tpu.region"() ({
      %run_scoped3A_222 = tpu.sem_alloc : memref<!tpu.dma_semaphore, #tpu.memory_space<semaphore_mem>>
      %dma_start3A_223 = arith.constant 0 : i32
      %dma_start3A_224 = tpu.memref_slice %arg5[%arg0, %mul3A_217, %dma_start3A_223] : memref<2x10240x64xf32, #tpu.memory_space<hbm>> -> memref<1x640x64xf32, #tpu.memory_space<hbm>>
      %dma_start3A_225 = tpu.memref_squeeze %dma_start3A_224 : memref<1x640x64xf32, #tpu.memory_space<hbm>> -> memref<640x64xf32, #tpu.memory_space<hbm>>
      %dma_start3A_226 = arith.constant 0 : i32
      %dma_start3A_227 = tpu.memref_slice %arg13[%mul3A_215, %dma_start3A_226] : memref<10240x64xf32, #tpu.memory_space<vmem_shared>> -> memref<640x64xf32, #tpu.memory_space<vmem_shared>>
      tpu.enqueue_dma source(%dma_start3A_227 : memref<640x64xf32, #tpu.memory_space<vmem_shared>>) target(%dma_start3A_225 : memref<640x64xf32, #tpu.memory_space<hbm>>) target_semaphore(%run_scoped3A_222 : memref<!tpu.dma_semaphore, #tpu.memory_space<semaphore_mem>>)
      %dma_wait3A_228 = arith.constant 0 : i32
      %dma_wait3A_229 = tpu.memref_slice %arg5[%arg0, %mul3A_217, %dma_wait3A_228] : memref<2x10240x64xf32, #tpu.memory_space<hbm>> -> memref<1x640x64xf32, #tpu.memory_space<hbm>>
      %dma_wait3A_230 = tpu.memref_squeeze %dma_wait3A_229 : memref<1x640x64xf32, #tpu.memory_space<hbm>> -> memref<640x64xf32, #tpu.memory_space<hbm>>
      %dma_wait3A_231 = arith.constant 0 : i32
      %dma_wait3A_232 = tpu.memref_slice %arg13[%mul3A_215, %dma_wait3A_231] : memref<10240x64xf32, #tpu.memory_space<vmem_shared>> -> memref<640x64xf32, #tpu.memory_space<vmem_shared>>
      tpu.wait_dma2 semaphore(%run_scoped3A_222 : memref<!tpu.dma_semaphore, #tpu.memory_space<semaphore_mem>>) src(%dma_wait3A_232 : memref<640x64xf32, #tpu.memory_space<vmem_shared>>) dst(%dma_wait3A_230 : memref<640x64xf32, #tpu.memory_space<hbm>>)
      tpu.yield
    }) : () -> ()
    %mul3A_218 = arith.constant 640 : i32
    %mul3A_219 = arith.muli %arg1, %mul3A_218 : i32
    %mul3A_220 = arith.constant 640 : i32
    %mul3A_221 = arith.muli %arg1, %mul3A_220 : i32
    "tpu.region"() ({
      %run_scoped3A_222 = tpu.sem_alloc : memref<!tpu.dma_semaphore, #tpu.memory_space<semaphore_mem>>
      %dma_start3A_223 = tpu.memref_slice %arg6[%arg0, %mul3A_221] : memref<2x10240xf32, #tpu.memory_space<hbm>> -> memref<1x640xf32, #tpu.memory_space<hbm>>
      %dma_start3A_224 = tpu.memref_squeeze %dma_start3A_223 : memref<1x640xf32, #tpu.memory_space<hbm>> -> memref<640xf32, #tpu.memory_space<hbm>>
      %dma_start3A_225 = tpu.memref_slice %arg14[%mul3A_219] : memref<10240xf32, #tpu.memory_space<vmem_shared>> -> memref<640xf32, #tpu.memory_space<vmem_shared>>
      tpu.enqueue_dma source(%dma_start3A_225 : memref<640xf32, #tpu.memory_space<vmem_shared>>) target(%dma_start3A_224 : memref<640xf32, #tpu.memory_space<hbm>>) target_semaphore(%run_scoped3A_222 : memref<!tpu.dma_semaphore, #tpu.memory_space<semaphore_mem>>)
      %dma_wait3A_226 = tpu.memref_slice %arg6[%arg0, %mul3A_221] : memref<2x10240xf32, #tpu.memory_space<hbm>> -> memref<1x640xf32, #tpu.memory_space<hbm>>
      %dma_wait3A_227 = tpu.memref_squeeze %dma_wait3A_226 : memref<1x640xf32, #tpu.memory_space<hbm>> -> memref<640xf32, #tpu.memory_space<hbm>>
      %dma_wait3A_228 = tpu.memref_slice %arg14[%mul3A_219] : memref<10240xf32, #tpu.memory_space<vmem_shared>> -> memref<640xf32, #tpu.memory_space<vmem_shared>>
      tpu.wait_dma2 semaphore(%run_scoped3A_222 : memref<!tpu.dma_semaphore, #tpu.memory_space<semaphore_mem>>) src(%dma_wait3A_228 : memref<640xf32, #tpu.memory_space<vmem_shared>>) dst(%dma_wait3A_227 : memref<640xf32, #tpu.memory_space<hbm>>)
      tpu.yield
    }) : () -> ()
    return
  }
}

module attributes {stable_mosaic.version = 14 : i64} {
  func.func @_mm2_body(%arg0: i32, %arg1: memref<1024x128xf32, #tpu.memory_space<vmem>>, %arg2: memref<1024x128xf32, #tpu.memory_space<vmem>>, %arg3: memref<128x64xf32, #tpu.memory_space<vmem>>, %arg4: memref<128x64xf32, #tpu.memory_space<vmem>>, %arg5: memref<1x64xf32, #tpu.memory_space<vmem>>, %arg6: memref<1024x128xf32, #tpu.memory_space<vmem>>, %arg7: memref<1024x128xf32, #tpu.memory_space<vmem>>) attributes {dimension_semantics = [#tpu.dimension_semantics<arbitrary>], iteration_bounds = array<i64: 5>, scalar_prefetch = 0 : i64, scratch_operands = 0 : i64, tpu.core_type = #tpu.core_type<tc>, window_params = [{transform_indices = @transform_0, window_bounds = array<i64: 1024, 128>}, {transform_indices = @transform_1, window_bounds = array<i64: 1024, 128>}, {pipeline_mode = #tpu.pipeline_mode<synchronous>, transform_indices = @transform_2, window_bounds = array<i64: 128, 64>}, {pipeline_mode = #tpu.pipeline_mode<synchronous>, transform_indices = @transform_3, window_bounds = array<i64: 128, 64>}, {pipeline_mode = #tpu.pipeline_mode<synchronous>, transform_indices = @transform_4, window_bounds = array<i64: 1, 64>}, {transform_indices = @transform_5, window_bounds = array<i64: 1024, 128>}, {transform_indices = @transform_6, window_bounds = array<i64: 1024, 128>}]} {
    %get3A = arith.constant 0 : index
    %get3A_0 = arith.constant 0 : index
    %get3A_1 = vector.load %arg1[%get3A, %get3A_0] : memref<1024x128xf32, #tpu.memory_space<vmem>>, vector<1024x128xf32>
    %get3A_2 = arith.constant 0 : index
    %get3A_3 = arith.constant 0 : index
    %get3A_4 = vector.load %arg2[%get3A_2, %get3A_3] : memref<1024x128xf32, #tpu.memory_space<vmem>>, vector<1024x128xf32>
    %get3A_5 = arith.constant 0 : index
    %get3A_6 = arith.constant 0 : index
    %get3A_7 = vector.load %arg3[%get3A_5, %get3A_6] : memref<128x64xf32, #tpu.memory_space<vmem>>, vector<128x64xf32>
    %get3A_8 = arith.constant 0 : index
    %get3A_9 = arith.constant 0 : index
    %get3A_10 = vector.load %arg4[%get3A_8, %get3A_9] : memref<128x64xf32, #tpu.memory_space<vmem>>, vector<128x64xf32>
    %get3A_11 = arith.constant 0 : index
    %get3A_12 = arith.constant 0 : index
    %get3A_13 = vector.load %arg5[%get3A_11, %get3A_12] : memref<1x64xf32, #tpu.memory_space<vmem>>, vector<1x64xf32>
    %dot_general3A = arith.constant dense<0.000000e+00> : vector<1024x64xf32>
    %dot_general3A_14 = tpu.matmul %get3A_1, %get3A_7, %dot_general3A {dimension_numbers = #tpu.dot_dimension_numbers<[1], [0], [0], [1], [0, 0, 1, 1], [], []>, transpose_lhs_hint = false} : vector<1024x128xf32>, vector<128x64xf32>, vector<1024x64xf32> -> vector<1024x64xf32>
    %dot_general3A_15 = arith.constant dense<0.000000e+00> : vector<1024x64xf32>
    %dot_general3A_16 = tpu.matmul %get3A_4, %get3A_7, %dot_general3A_15 {dimension_numbers = #tpu.dot_dimension_numbers<[1], [0], [0], [1], [0, 0, 1, 1], [], []>, transpose_lhs_hint = false} : vector<1024x128xf32>, vector<128x64xf32>, vector<1024x64xf32> -> vector<1024x64xf32>
    %dot_general3A_17 = arith.constant dense<0.000000e+00> : vector<1024x64xf32>
    %dot_general3A_18 = tpu.matmul %get3A_1, %get3A_10, %dot_general3A_17 {dimension_numbers = #tpu.dot_dimension_numbers<[1], [0], [0], [1], [0, 0, 1, 1], [], []>, transpose_lhs_hint = false} : vector<1024x128xf32>, vector<128x64xf32>, vector<1024x64xf32> -> vector<1024x64xf32>
    %add3A = vector.broadcast %get3A_13 : vector<1x64xf32> to vector<1024x64xf32>
    %add3A_19 = arith.addf %dot_general3A_18, %add3A : vector<1024x64xf32>
    %dot_general3A_20 = arith.constant dense<0.000000e+00> : vector<1024x64xf32>
    %dot_general3A_21 = tpu.matmul %get3A_4, %get3A_10, %dot_general3A_20 {dimension_numbers = #tpu.dot_dimension_numbers<[1], [0], [0], [1], [0, 0, 1, 1], [], []>, transpose_lhs_hint = false} : vector<1024x128xf32>, vector<128x64xf32>, vector<1024x64xf32> -> vector<1024x64xf32>
    %add3A_22 = vector.broadcast %get3A_13 : vector<1x64xf32> to vector<1024x64xf32>
    %add3A_23 = arith.addf %dot_general3A_21, %add3A_22 : vector<1024x64xf32>
    %concatenate3A = tpu.concatenate %dot_general3A_14, %dot_general3A_16 in 1 : vector<1024x64xf32>, vector<1024x64xf32> -> vector<1024x128xf32>
    %swap3A = arith.constant 0 : index
    %swap3A_24 = arith.constant 0 : index
    %swap3A_25 = vector.load %arg6[%swap3A, %swap3A_24] : memref<1024x128xf32, #tpu.memory_space<vmem>>, vector<1024x128xf32>
    tpu.vector_store %arg6[%swap3A, %swap3A_24], %concatenate3A {strides = array<i32>} : memref<1024x128xf32, #tpu.memory_space<vmem>>, vector<1024x128xf32>,
    %concatenate3A_26 = tpu.concatenate %add3A_19, %add3A_23 in 1 : vector<1024x64xf32>, vector<1024x64xf32> -> vector<1024x128xf32>
    %swap3A_27 = arith.constant 0 : index
    %swap3A_28 = arith.constant 0 : index
    %swap3A_29 = vector.load %arg7[%swap3A_27, %swap3A_28] : memref<1024x128xf32, #tpu.memory_space<vmem>>, vector<1024x128xf32>
    tpu.vector_store %arg7[%swap3A_27, %swap3A_28], %concatenate3A_26 {strides = array<i32>} : memref<1024x128xf32, #tpu.memory_space<vmem>>, vector<1024x128xf32>,
    return
  }
  func.func @transform_0(%arg0: i32) -> (i32, i32) {
    %c0_i32 = arith.constant 0 : i32
    %c0_i32_0 = arith.constant 0 : i32
    return %arg0, %c0_i32 : i32, i32
  }
  func.func @transform_1(%arg0: i32) -> (i32, i32) {
    %add3A = arith.constant 5 : i32
    %add3A_0 = arith.addi %arg0, %add3A : i32
    %c0_i32 = arith.constant 0 : i32
    %c0_i32_1 = arith.constant 0 : i32
    return %add3A_0, %c0_i32 : i32, i32
  }
  func.func @transform_2(%arg0: i32) -> (i32, i32) {
    %c0_i32 = arith.constant 0 : i32
    %c0_i32_0 = arith.constant 0 : i32
    %c0_i32_1 = arith.constant 0 : i32
    return %c0_i32, %c0_i32_0 : i32, i32
  }
  func.func @transform_3(%arg0: i32) -> (i32, i32) {
    %c0_i32 = arith.constant 0 : i32
    %c0_i32_0 = arith.constant 0 : i32
    %c0_i32_1 = arith.constant 0 : i32
    return %c0_i32, %c0_i32_0 : i32, i32
  }
  func.func @transform_4(%arg0: i32) -> (i32, i32) {
    %c0_i32 = arith.constant 0 : i32
    %c0_i32_0 = arith.constant 0 : i32
    %c0_i32_1 = arith.constant 0 : i32
    return %c0_i32, %c0_i32_0 : i32, i32
  }
  func.func @transform_5(%arg0: i32) -> (i32, i32) {
    %c0_i32 = arith.constant 0 : i32
    %c0_i32_0 = arith.constant 0 : i32
    return %arg0, %c0_i32 : i32, i32
  }
  func.func @transform_6(%arg0: i32) -> (i32, i32) {
    %c0_i32 = arith.constant 0 : i32
    %c0_i32_0 = arith.constant 0 : i32
    return %arg0, %c0_i32 : i32, i32
  }
}

module attributes {stable_mosaic.version = 14 : i64} {
  func.func @_proj_body(%arg0: i32, %arg1: memref<2x1024x128xf32, #tpu.memory_space<vmem>>, %arg2: memref<2x1024x2xf32, #tpu.memory_space<vmem>>, %arg3: memref<1024x128xf32, #tpu.memory_space<vmem>>, %arg4: memref<64x1xf32, #tpu.memory_space<vmem>>, %arg5: memref<64x1xf32, #tpu.memory_space<vmem>>, %arg6: memref<1024x2xf32, #tpu.memory_space<vmem>>, %arg7: memref<1024x2xf32, #tpu.memory_space<vmem>>, %arg8: memref<1024x2xf32, #tpu.memory_space<vmem>>) attributes {dimension_semantics = [#tpu.dimension_semantics<arbitrary>], iteration_bounds = array<i64: 5>, scalar_prefetch = 0 : i64, scratch_operands = 0 : i64, tpu.core_type = #tpu.core_type<tc>, window_params = [{transform_indices = @transform_0, window_bounds = array<i64: 2, 1024, 128>}, {transform_indices = @transform_1, window_bounds = array<i64: 2, 1024, 2>}, {transform_indices = @transform_2, window_bounds = array<i64: 1024, 128>}, {pipeline_mode = #tpu.pipeline_mode<synchronous>, transform_indices = @transform_3, window_bounds = array<i64: 64, 1>}, {pipeline_mode = #tpu.pipeline_mode<synchronous>, transform_indices = @transform_4, window_bounds = array<i64: 64, 1>}, {transform_indices = @transform_5, window_bounds = array<i64: 1024, 2>}, {transform_indices = @transform_6, window_bounds = array<i64: 1024, 2>}, {transform_indices = @transform_7, window_bounds = array<i64: 1024, 2>}]} {
    %get3A = arith.constant 0 : index
    %get3A_0 = arith.constant 0 : index
    %get3A_1 = arith.constant 0 : index
    %get3A_2 = vector.load %arg1[%get3A, %get3A_0, %get3A_1] : memref<2x1024x128xf32, #tpu.memory_space<vmem>>, vector<1x1024x128xf32>
    %get3A_3 = vector.shape_cast %get3A_2 : vector<1x1024x128xf32> to vector<1024x128xf32>
    %get3A_4 = arith.constant 1 : index
    %get3A_5 = arith.constant 0 : index
    %get3A_6 = arith.constant 0 : index
    %get3A_7 = vector.load %arg1[%get3A_4, %get3A_5, %get3A_6] : memref<2x1024x128xf32, #tpu.memory_space<vmem>>, vector<1x1024x128xf32>
    %get3A_8 = vector.shape_cast %get3A_7 : vector<1x1024x128xf32> to vector<1024x128xf32>
    %add3A = arith.addf %get3A_3, %get3A_8 : vector<1024x128xf32>
    %slice3A = vector.extract_strided_slice %add3A {offsets = [0, 0], sizes = [1024, 64], strides = [1, 1]} : vector<1024x128xf32> to vector<1024x64xf32>
    %slice3A_9 = vector.extract_strided_slice %add3A {offsets = [0, 64], sizes = [1024, 64], strides = [1, 1]} : vector<1024x128xf32> to vector<1024x64xf32>
    %get3A_10 = arith.constant 0 : index
    %get3A_11 = arith.constant 0 : index
    %get3A_12 = vector.load %arg3[%get3A_10, %get3A_11] : memref<1024x128xf32, #tpu.memory_space<vmem>>, vector<1024x64xf32>
    %get3A_13 = arith.constant 0 : index
    %get3A_14 = arith.constant 64 : index
    %get3A_15 = vector.load %arg3[%get3A_13, %get3A_14] : memref<1024x128xf32, #tpu.memory_space<vmem>>, vector<1024x64xf32>
    %get3A_16 = arith.constant 0 : index
    %get3A_17 = arith.constant 0 : index
    %get3A_18 = arith.constant 0 : index
    %get3A_19 = vector.load %arg2[%get3A_16, %get3A_17, %get3A_18] : memref<2x1024x2xf32, #tpu.memory_space<vmem>>, vector<1x1024x2xf32>
    %get3A_20 = vector.shape_cast %get3A_19 : vector<1x1024x2xf32> to vector<1024x2xf32>
    %get3A_21 = arith.constant 1 : index
    %get3A_22 = arith.constant 0 : index
    %get3A_23 = arith.constant 0 : index
    %get3A_24 = vector.load %arg2[%get3A_21, %get3A_22, %get3A_23] : memref<2x1024x2xf32, #tpu.memory_space<vmem>>, vector<1x1024x2xf32>
    %get3A_25 = vector.shape_cast %get3A_24 : vector<1x1024x2xf32> to vector<1024x2xf32>
    %add3A_26 = arith.addf %get3A_20, %get3A_25 : vector<1024x2xf32>
    %max3A = arith.constant 1.000000e+00 : f32
    %max3A_27 = vector.broadcast %max3A : f32 to vector<1024x2xf32>
    %max3A_28 = arith.maximumf %add3A_26, %max3A_27 : vector<1024x2xf32>
    %slice3A_29 = vector.extract_strided_slice %max3A_28 {offsets = [0, 0], sizes = [1024, 1], strides = [1, 1]} : vector<1024x2xf32> to vector<1024x1xf32>
    %div3A = arith.constant 1.000000e+00 : f32
    %div3A_30 = vector.broadcast %div3A : f32 to vector<1024x1xf32>
    %div3A_31 = arith.divf %div3A_30, %slice3A_29 : vector<1024x1xf32>
    %slice3A_32 = vector.extract_strided_slice %max3A_28 {offsets = [0, 1], sizes = [1024, 1], strides = [1, 1]} : vector<1024x2xf32> to vector<1024x1xf32>
    %div3A_33 = arith.constant 1.000000e+00 : f32
    %div3A_34 = vector.broadcast %div3A_33 : f32 to vector<1024x1xf32>
    %div3A_35 = arith.divf %div3A_34, %slice3A_32 : vector<1024x1xf32>
    %mul3A = vector.broadcast %div3A_31 : vector<1024x1xf32> to vector<1024x64xf32>
    %mul3A_36 = arith.mulf %slice3A, %mul3A : vector<1024x64xf32>
    %add3A_37 = arith.addf %mul3A_36, %get3A_12 : vector<1024x64xf32>
    %max3A_38 = arith.constant 0.000000e+00 : f32
    %max3A_39 = vector.broadcast %max3A_38 : f32 to vector<1024x64xf32>
    %max3A_40 = arith.maximumf %add3A_37, %max3A_39 : vector<1024x64xf32>
    %mul3A_41 = vector.broadcast %div3A_35 : vector<1024x1xf32> to vector<1024x64xf32>
    %mul3A_42 = arith.mulf %slice3A_9, %mul3A_41 : vector<1024x64xf32>
    %add3A_43 = arith.addf %mul3A_42, %get3A_15 : vector<1024x64xf32>
    %max3A_44 = arith.constant 0.000000e+00 : f32
    %max3A_45 = vector.broadcast %max3A_44 : f32 to vector<1024x64xf32>
    %max3A_46 = arith.maximumf %add3A_43, %max3A_45 : vector<1024x64xf32>
    %get3A_47 = arith.constant 0 : index
    %get3A_48 = arith.constant 0 : index
    %get3A_49 = vector.load %arg4[%get3A_47, %get3A_48] : memref<64x1xf32, #tpu.memory_space<vmem>>, vector<64x1xf32>
    %get3A_50 = arith.constant 0 : index
    %get3A_51 = arith.constant 0 : index
    %get3A_52 = vector.load %arg5[%get3A_50, %get3A_51] : memref<64x1xf32, #tpu.memory_space<vmem>>, vector<64x1xf32>
    %dot_general3A = arith.constant dense<0.000000e+00> : vector<1024x1xf32>
    %dot_general3A_53 = tpu.matmul %max3A_40, %get3A_49, %dot_general3A {dimension_numbers = #tpu.dot_dimension_numbers<[1], [0], [0], [1], [0, 0, 1, 1], [], []>, transpose_lhs_hint = false} : vector<1024x64xf32>, vector<64x1xf32>, vector<1024x1xf32> -> vector<1024x1xf32>
    %dot_general3A_54 = arith.constant dense<0.000000e+00> : vector<1024x1xf32>
    %dot_general3A_55 = tpu.matmul %max3A_46, %get3A_49, %dot_general3A_54 {dimension_numbers = #tpu.dot_dimension_numbers<[1], [0], [0], [1], [0, 0, 1, 1], [], []>, transpose_lhs_hint = false} : vector<1024x64xf32>, vector<64x1xf32>, vector<1024x1xf32> -> vector<1024x1xf32>
    %concatenate3A = tpu.concatenate %dot_general3A_53, %dot_general3A_55 in 1 : vector<1024x1xf32>, vector<1024x1xf32> -> vector<1024x2xf32>
    %swap3A = arith.constant 0 : index
    %swap3A_56 = arith.constant 0 : index
    %swap3A_57 = vector.load %arg6[%swap3A, %swap3A_56] : memref<1024x2xf32, #tpu.memory_space<vmem>>, vector<1024x2xf32>
    tpu.vector_store %arg6[%swap3A, %swap3A_56], %concatenate3A {strides = array<i32>} : memref<1024x2xf32, #tpu.memory_space<vmem>>, vector<1024x2xf32>,
    %dot_general3A_58 = arith.constant dense<0.000000e+00> : vector<1024x1xf32>
    %dot_general3A_59 = tpu.matmul %max3A_40, %get3A_52, %dot_general3A_58 {dimension_numbers = #tpu.dot_dimension_numbers<[1], [0], [0], [1], [0, 0, 1, 1], [], []>, transpose_lhs_hint = false} : vector<1024x64xf32>, vector<64x1xf32>, vector<1024x1xf32> -> vector<1024x1xf32>
    %dot_general3A_60 = arith.constant dense<0.000000e+00> : vector<1024x1xf32>
    %dot_general3A_61 = tpu.matmul %max3A_46, %get3A_52, %dot_general3A_60 {dimension_numbers = #tpu.dot_dimension_numbers<[1], [0], [0], [1], [0, 0, 1, 1], [], []>, transpose_lhs_hint = false} : vector<1024x64xf32>, vector<64x1xf32>, vector<1024x1xf32> -> vector<1024x1xf32>
    %concatenate3A_62 = tpu.concatenate %dot_general3A_59, %dot_general3A_61 in 1 : vector<1024x1xf32>, vector<1024x1xf32> -> vector<1024x2xf32>
    %swap3A_63 = arith.constant 0 : index
    %swap3A_64 = arith.constant 0 : index
    %swap3A_65 = vector.load %arg7[%swap3A_63, %swap3A_64] : memref<1024x2xf32, #tpu.memory_space<vmem>>, vector<1024x2xf32>
    tpu.vector_store %arg7[%swap3A_63, %swap3A_64], %concatenate3A_62 {strides = array<i32>} : memref<1024x2xf32, #tpu.memory_space<vmem>>, vector<1024x2xf32>,
    %concatenate3A_66 = tpu.concatenate %div3A_31, %div3A_35 in 1 : vector<1024x1xf32>, vector<1024x1xf32> -> vector<1024x2xf32>
    %swap3A_67 = arith.constant 0 : index
    %swap3A_68 = arith.constant 0 : index
    %swap3A_69 = vector.load %arg8[%swap3A_67, %swap3A_68] : memref<1024x2xf32, #tpu.memory_space<vmem>>, vector<1024x2xf32>
    tpu.vector_store %arg8[%swap3A_67, %swap3A_68], %concatenate3A_66 {strides = array<i32>} : memref<1024x2xf32, #tpu.memory_space<vmem>>, vector<1024x2xf32>,
    return
  }
  func.func @transform_0(%arg0: i32) -> (i32, i32, i32) {
    %c0_i32 = arith.constant 0 : i32
    %c0_i32_0 = arith.constant 0 : i32
    %c0_i32_1 = arith.constant 0 : i32
    return %c0_i32, %arg0, %c0_i32_0 : i32, i32, i32
  }
  func.func @transform_1(%arg0: i32) -> (i32, i32, i32) {
    %c0_i32 = arith.constant 0 : i32
    %c0_i32_0 = arith.constant 0 : i32
    %c0_i32_1 = arith.constant 0 : i32
    return %c0_i32, %arg0, %c0_i32_0 : i32, i32, i32
  }
  func.func @transform_2(%arg0: i32) -> (i32, i32) {
    %c0_i32 = arith.constant 0 : i32
    %c0_i32_0 = arith.constant 0 : i32
    return %arg0, %c0_i32 : i32, i32
  }
  func.func @transform_3(%arg0: i32) -> (i32, i32) {
    %c0_i32 = arith.constant 0 : i32
    %c0_i32_0 = arith.constant 0 : i32
    %c0_i32_1 = arith.constant 0 : i32
    return %c0_i32, %c0_i32_0 : i32, i32
  }
  func.func @transform_4(%arg0: i32) -> (i32, i32) {
    %c0_i32 = arith.constant 0 : i32
    %c0_i32_0 = arith.constant 0 : i32
    %c0_i32_1 = arith.constant 0 : i32
    return %c0_i32, %c0_i32_0 : i32, i32
  }
  func.func @transform_5(%arg0: i32) -> (i32, i32) {
    %c0_i32 = arith.constant 0 : i32
    %c0_i32_0 = arith.constant 0 : i32
    return %arg0, %c0_i32 : i32, i32
  }
  func.func @transform_6(%arg0: i32) -> (i32, i32) {
    %c0_i32 = arith.constant 0 : i32
    %c0_i32_0 = arith.constant 0 : i32
    return %arg0, %c0_i32 : i32, i32
  }
  func.func @transform_7(%arg0: i32) -> (i32, i32) {
    %c0_i32 = arith.constant 0 : i32
    %c0_i32_0 = arith.constant 0 : i32
    return %arg0, %c0_i32 : i32, i32
  }
}

module attributes {stable_mosaic.version = 14 : i64} {
  func.func @_sig_body(%arg0: memref<2x80x128xf32, #tpu.memory_space<vmem>>, %arg1: memref<80x128xf32, #tpu.memory_space<vmem>>, %arg2: memref<80x128xf32, #tpu.memory_space<vmem>>, %arg3: memref<1x1xf32, #tpu.memory_space<vmem>>, %arg4: memref<80x128xf32, #tpu.memory_space<vmem>>) attributes {dimension_semantics = [], scalar_prefetch = 0 : i64, scratch_operands = 0 : i64, tpu.core_type = #tpu.core_type<tc>} {
    %get3A = arith.constant 0 : index
    %get3A_0 = arith.constant 0 : index
    %get3A_1 = arith.constant 0 : index
    %get3A_2 = vector.load %arg0[%get3A, %get3A_0, %get3A_1] : memref<2x80x128xf32, #tpu.memory_space<vmem>>, vector<1x80x128xf32>
    %get3A_3 = vector.shape_cast %get3A_2 : vector<1x80x128xf32> to vector<80x128xf32>
    %get3A_4 = arith.constant 1 : index
    %get3A_5 = arith.constant 0 : index
    %get3A_6 = arith.constant 0 : index
    %get3A_7 = vector.load %arg0[%get3A_4, %get3A_5, %get3A_6] : memref<2x80x128xf32, #tpu.memory_space<vmem>>, vector<1x80x128xf32>
    %get3A_8 = vector.shape_cast %get3A_7 : vector<1x80x128xf32> to vector<80x128xf32>
    %add3A = arith.addf %get3A_3, %get3A_8 : vector<80x128xf32>
    %get3A_9 = arith.constant 0 : index
    %get3A_10 = arith.constant 0 : index
    %get3A_11 = vector.load %arg1[%get3A_9, %get3A_10] : memref<80x128xf32, #tpu.memory_space<vmem>>, vector<80x128xf32>
    %mul3A = arith.mulf %add3A, %get3A_11 : vector<80x128xf32>
    %get3A_12 = arith.constant 0 : index
    %get3A_13 = arith.constant 0 : index
    %get3A_14 = vector.load %arg2[%get3A_12, %get3A_13] : memref<80x128xf32, #tpu.memory_space<vmem>>, vector<80x128xf32>
    %add3A_15 = arith.addf %mul3A, %get3A_14 : vector<80x128xf32>
    %get3A_16 = arith.constant 0 : index
    %get3A_17 = arith.constant 0 : index
    %get3A_18 = vector.load %arg3[%get3A_16, %get3A_17] : memref<1x1xf32, #tpu.memory_space<vmem>>, vector<1x1xf32>
    %get3A_19 = vector.extract %get3A_18[0, 0] : f32 from vector<1x1xf32>
    %add3A_20 = vector.broadcast %get3A_19 : f32 to vector<80x128xf32>
    %add3A_21 = arith.addf %add3A_15, %add3A_20 : vector<80x128xf32>
    %neg3A = arith.constant 0.000000e+00 : f32
    %neg3A_22 = vector.broadcast %neg3A : f32 to vector<80x128xf32>
    %neg3A_23 = arith.subf %neg3A_22, %add3A_21 : vector<80x128xf32>
    %exp3A = math.exp %neg3A_23 : vector<80x128xf32>
    %add3A_24 = arith.constant 1.000000e+00 : f32
    %add3A_25 = vector.broadcast %add3A_24 : f32 to vector<80x128xf32>
    %add3A_26 = arith.addf %add3A_25, %exp3A : vector<80x128xf32>
    %div3A = arith.constant 1.000000e+00 : f32
    %div3A_27 = vector.broadcast %div3A : f32 to vector<80x128xf32>
    %div3A_28 = arith.divf %div3A_27, %add3A_26 : vector<80x128xf32>
    %swap3A = arith.constant 0 : index
    %swap3A_29 = arith.constant 0 : index
    %swap3A_30 = vector.load %arg4[%swap3A, %swap3A_29] : memref<80x128xf32, #tpu.memory_space<vmem>>, vector<80x128xf32>
    tpu.vector_store %arg4[%swap3A, %swap3A_29], %div3A_28 {strides = array<i32>} : memref<80x128xf32, #tpu.memory_space<vmem>>, vector<80x128xf32>,
    return
  }
}

</mosaic_0001>

<sc_bundles>
// kernel: kernel.10.cloned.1.call-start
scs
__scs_entry_jumppad:
0x0: {  	(pc) =	sbr.rel $0x88, $3  }
0x1: {  	(tag) =	ssettag $0x0;
	lr =	simm.s32 $0x1  }
0x2: {  	[smem:$0x3F99] =	sst lr;
	_ =	strace $0xD0000000  }
0x3: {  	_ = 	snop  }
0x4: {  	_ = 	snop  }
0x5: {  	_ = 	snop  }
0x6: {  	_ = 	snop  }
0x7: {  	_ = 	snop  }
__scs_overlays_trampoline_lowered:
0x8: {  	[smem:$0x3FA8] =	sst s0  }
0x9: {  	[smem:$0x3FA9] =	sst s1  }
0xa: {  	[smem:$0x3FAA] =	sst s2  }
0xb: {  	[smem:$0x3FAB] =	sst s3  }
0xc: {  	[smem:$0x3FAC] =	sst s4  }
0xd: {  	[smem:$0x3FAD] =	sst s5  }
0xe: {  	[smem:$0x3FAE] =	sst s6  }
0xf: {  	[smem:$0x3FAF] =	sst s7  }
0x10: {  	[smem:$0x3FB0] =	sst s8  }
0x11: {  	[smem:$0x3FB1] =	sst s9;
	s0 =	simm.s32 @!p0 $0x0  }
0x12: {  	s1 =	sld [smem:$0x3F97];
	s0 =	simm.s32 @p0 $0x1  }
0x13: {  	[smem:$0x3FB2] =	sst s0;
	s0 =	simm.s32 @!p1 $0x0  }
0x14: {  	s2 =	sld [smem:$0x3F96];
	s0 =	simm.s32 @p1 $0x1  }
0x15: {  	[smem:$0x3FB3] =	sst s0;
	s0 =	simm.s32 @!p2 $0x0  }
0x16: {  	s3 =	sld [smem:$0x3FDB];
	s0 =	simm.s32 @p2 $0x1  }
0x17: {  	s4 =	simm.s32 $0x1BF5;
	[smem:$0x3FB5] =	sst s0  }
0x18: {  	s0 =	sld [smem:$0x3F98];
	_ =	swait.ge [sflag:s4], $0x0  }
0x19: {  	s7 =	sld [smem:$0x3F99]  }
0x1a: {  	s8 =	sadd.s32 $0xFFFFE003, lr  }
0x1b: {  	s9 =	sadd.s32 $0xFFFFFEF7, lr;
	s5 =	simm.s32 $0xFFFFFFFF;
	p2 =	slt.u32 s8, $0xFFFFF086  }
0x1c: {  	p1 =	slt.u32 s9, $0xF7A;
	s5 =	simm.s32 @!p2 $0x0  }
0x1d: {  	s5 =	simm.s32 @p1 $0x1;
	p0 =	seq.s32 s7, s2  }
0x1e: {  	s7 =	smul.u32 @!p0 $0xF7A, s2;
	p2 =	seq.s32 @!p0 s5, $0x0  }
0x1f: {  	s9 =	smul.u32 $0xF7A, s1;
	s8 =	simm.s32 @!p0 $0x1BF5;
	p2 =	por !p2, p0  }
0x20: {  	[sflag:s8] =	ssyncset.s32 @!p0 $0xFFFFF086;
	s6 =	sadd.s32 @!p0 s3, s7;
	s7 =	simm.s32 @!p0 $0x108  }
0x21: {  	s3 =	sadd.s32 s3, s9;
	s6 =	sadd.s32 @!p0 $0x88, s6;
	s7 =	simm.s32 @p2 $0x1082  }
0x22: {  	[simem:s7], [sflag:s8] =	dma.local @!p0 [hbm:s6], $0xF7A  }
0x23: {  	s9 =	sor.u32 $0xD0000000, s2;
	s6 =	simm.s32 $0x108;
	_ =	swait.ge @!p0 [sflag:s8], $0x0  }
0x24: {  	s3 =	sadd.s32 $0x88, s3;
	s6 =	simm.s32 @!p1 $0x1082;
	[sflag:s4] =	ssyncset.s32 $0xFFFFF086  }
0x25: {  	[simem:s6], [sflag:s4] =	dma.local [hbm:s3], $0xF7A  }
0x26: {  	[smem:$0x3F99] =	sst s1;
	(tag) =	ssettag s2;
	_ =	strace s9  }
0x27: {  	s1 =	sld [smem:$0x3FA9]  }
0x28: {  	s2 =	sld [smem:$0x3FAA]  }
0x29: {  	s4 =	sld [smem:$0x3FAC]  }
0x2a: {  	p0 =	seq.s32 s5, $0x0;
	s5 =	sld [smem:$0x3FAD]  }
0x2b: {  	s6 =	sld [smem:$0x3FAE]  }
0x2c: {  	s7 =	sld [smem:$0x3FAF]  }
0x2d: {  	s3 =	simm.s32 $0x108;
	s8 =	sld [smem:$0x3FB0]  }
0x2e: {  	s3 =	simm.s32 @!p0 $0x1082;
	s9 =	sld [smem:$0x3FB1]  }
0x2f: {  	lr =	sadd.s32 s0, s3;
	s0 =	sld [smem:$0x3FA8]  }
0x30: {  	s3 =	sld [smem:$0x3FAB]  }
0x31: {  	[smem:$0x3FB4] =	sst s10  }
0x32: {  	s10 =	sld [smem:$0x3FB2];
	_ =	sdelay $0x3  }
0x33: {  	p0 =	seq.s32 s10, $0x1;
	s10 =	sld [smem:$0x3FB4];
	_ =	sdelay $0x3  }
0x34: {  	[smem:$0x3FB4] =	sst s10  }
0x35: {  	s10 =	sld [smem:$0x3FB3];
	_ =	sdelay $0x3  }
0x36: {  	p1 =	seq.s32 s10, $0x1;
	s10 =	sld [smem:$0x3FB4];
	_ =	sdelay $0x3  }
0x37: {  	[smem:$0x3FB4] =	sst s10  }
0x38: {  	s10 =	sld [smem:$0x3FB5]  }
0x39: {  	_ = 	snop;
	(pc) =	sbr.ind lr, $3  }
0x3a: {  	_ = 	snop  }
0x3b: {  	_ = 	snop  }
0x3c: {  	p2 =	seq.s32 s10, $0x1;
	s10 =	sld [smem:$0x3FB4]  }
0x3d: {  	_ =	shalt  }
0x3e: {  	_ =	shalt  }
0x3f: {  	_ =	shalt  }
0x40: {  	_ =	shalt  }
0x41: {  	_ =	shalt  }
0x42: {  	_ =	shalt  }
0x43: {  	_ =	shalt  }
0x44: {  	_ =	shalt  }
0x45: {  	_ =	shalt  }
0x46: {  	_ =	shalt  }
0x47: {  	_ =	shalt  }
0x48: {  	_ =	shalt  }
0x49: {  	_ =	shalt  }
0x4a: {  	_ =	shalt  }
0x4b: {  	_ =	shalt  }
0x4c: {  	_ =	shalt  }
0x4d: {  	_ =	shalt  }
0x4e: {  	_ =	shalt  }
0x4f: {  	_ =	shalt  }
0x50: {  	_ =	shalt  }
0x51: {  	_ =	shalt  }
0x52: {  	_ =	shalt  }
0x53: {  	_ =	shalt  }
0x54: {  	_ =	shalt  }
0x55: {  	_ =	shalt  }
0x56: {  	_ =	shalt  }
0x57: {  	_ =	shalt  }
0x58: {  	_ =	shalt  }
0x59: {  	_ =	shalt  }
0x5a: {  	_ =	shalt  }
0x5b: {  	_ =	shalt  }
0x5c: {  	_ =	shalt  }
0x5d: {  	_ =	shalt  }
0x5e: {  	_ =	shalt  }
0x5f: {  	_ =	shalt  }
0x60: {  	_ =	shalt  }
0x61: {  	_ =	shalt  }
0x62: {  	_ =	shalt  }
0x63: {  	_ =	shalt  }
0x64: {  	_ =	shalt  }
0x65: {  	_ =	shalt  }
0x66: {  	_ =	shalt  }
0x67: {  	_ =	shalt  }
0x68: {  	_ =	shalt  }
0x69: {  	_ =	shalt  }
0x6a: {  	_ =	shalt  }
0x6b: {  	_ =	shalt  }
0x6c: {  	_ =	shalt  }
0x6d: {  	_ =	shalt  }
0x6e: {  	_ =	shalt  }
0x6f: {  	_ =	shalt  }
0x70: {  	_ =	shalt  }
0x71: {  	_ =	shalt  }
0x72: {  	_ =	shalt  }
0x73: {  	_ =	shalt  }
0x74: {  	_ =	shalt  }
0x75: {  	_ =	shalt  }
0x76: {  	_ =	shalt  }
0x77: {  	_ =	shalt  }
0x78: {  	_ =	shalt  }
0x79: {  	_ =	shalt  }
0x7a: {  	_ =	shalt  }
0x7b: {  	_ =	shalt  }
0x7c: {  	_ =	shalt  }
0x7d: {  	_ =	shalt  }
0x7e: {  	_ =	shalt  }
0x7f: {  	_ =	shalt  }
0x80: {  	_ =	shalt  }
0x81: {  	_ =	shalt  }
0x82: {  	_ =	shalt  }
0x83: {  	_ =	shalt  }
0x84: {  	_ =	shalt  }
0x85: {  	_ =	shalt  }
0x86: {  	_ =	shalt  }
0x87: {  	_ =	shalt  }
.Lfunc_end0:
.L_simem_size_0:
called_computation.1_lowered:
.L_overlay_start_0:
0x88: {  	s2 =	sld [smem:$0x3FD9]  }
0x89: {  	s3 =	sld [smem:$0x3FFE];
	_ =	sdelay $0x1  }
0x8a: {  	s1 =	srdreg.scid  }
0x8b: {  	s0 =	sand.u32 $0x1, s1  }
0x8c: {  	s16 =	sshll.u32 s0, $0xA;
	s2 =	sadd.s32 s3, s2  }
0x8d: {  	s2 =	sadd.s32 s2, s16  }
0x8e: {  	[smem:$0x3FC0] =	sst s2  }
0x8f: {  	_ = 	snop  }
0x90: {  	(tm) =	ssettm $0x1  }
0x91: {  	s17 =	sld [smem:$0x3FFB];
	_ =	sdelay $0x3  }
0x92: {  	_ =	strace s17  }
0x93: {  	s2 =	sld [smem:$0x3FFC];
	_ =	sdelay $0x3  }
0x94: {  	_ =	strace s2  }
0x95: {  	s2 =	sld [smem:$0x3FFD];
	_ =	sdelay $0x3  }
0x96: {  	_ =	strace s2  }
0x97: {  	_ =	strace $0x8FFFFFFF  }
0x98: {  	s18 =	sld [smem:$0x3FDB];
	_ =	sdelay $0x1  }
0x99: {  	s19 =	simm.s32 $_scs_section_size  }
0x9a: {  	s4 =	simm.s32 $_size__tile_overlayer_lowered;
	s5 =	simm.s32 $_tile_overlayer_lowered  }
0x9b: {  	s22 =	simm.s32 $0x1BFF;
	s21 =	sshll.u32 s5, $0x1;
	s2 =	sadd.s32 s19, s18  }
0x9c: {  	s6 =	simm.s32 $0x0;
	s20 =	sshll.u32 s4, $0x1;
	s4 =	sadd.s32 s21, s2  }
0x9d: {  	[timem:s6], [sflag:s22] =	dma.local [hbm:s4], s20  }
0x9e: {  	_ =	swait.ge [sflag:s22], s20  }
0x9f: {  	s3 =	ssub.s32 $0x0, s20;
	[sflag:s22] =	ssyncset.done $0x0  }
0xa0: {  	[sflag:s22] =	ssyncadd.s32 s3;
	_ =	sdelay $0x1  }
0xa1: {  	s23 =	simm.s32 $0x1B8B  }
0xa2: {  	_ =	swait.ge [sflag:s23], $0x1  }
0xa3: {  	[sflag:s23] =	ssyncset.done $0x0  }
0xa4: {  	s25 =	simm.s32 $0x1B8E;
	s24 =	sld [smem:$0x3FFE];
	[sflag:s23] =	ssyncadd.s32 $0xFFFFFFFF  }
0xa5: {  	s26 =	simm.s32 $execute0_lowered;
	[smem:$0x3FD2] =	sst s25  }
0xa6: {  	s4 =	sshll.u32 s26, $0x1;
	_ =	strace $0x80000049;
	[dreg:$0x1] =	wrdreg $0xFFFFFFFF  }
0xa7: {  	s28 =	simm.s32 $_size_execute0_lowered;
	s2 =	sadd.s32 s2, s4;
	[dreg:$0x0] =	wrdreg $0x0  }
0xa8: {  	s4 =	sshll.u32 s28, $0x1;
	[dreg:$0x2] =	wrdreg s2  }
0xa9: {  	[dreg:$0x3] =	wrdreg s4  }
0xaa: {  	[dreg:$0x4] =	wrdreg $0xC0  }
0xab: {  	_ =	task [dreg:s6], $0x5FFFF  }
0xac: {  	[dreg:$0x1] =	wrdreg $0xFFFFFFFF  }
0xad: {  	[dreg:$0x0] =	wrdreg $0x60  }
0xae: {  	[dreg:$0x2] =	wrdreg s24  }
0xaf: {  	[dreg:$0x3] =	wrdreg $0x53800  }
0xb0: {  	[dreg:$0x4] =	wrdreg $0x56000  }
0xb1: {  	[dreg:$0x5] =	wrdreg $0x9  }
0xb2: {  	_ =	task.clear_ibuf [dreg:s6], $0x6FFFF;
	_ =	strace $0x90000049  }
0xb3: {  	s29 =	simm.s32 $0x9;
	_ =	strace $0x8000004B  }
0xb4: {  	_ =	swait.ge [sflag:s29], $0x1  }
0xb5: {  	[sflag:s29] =	ssyncadd.s32 $0xFFFFFFFF  }
0xb6: {  	_ =	strace $0x9000004B  }
0xb7: {  	_ =	sfence  }
0xb8: {  	s30 =	sld [smem:$0x0];
	_ =	sdelay $0x2  }
0xb9: {  	s31 =	sshll.u32 s1, $0xD;
	s1 =	sshrl.u32 s1, $0x2  }
0xba: {  	s3 =	sand.u32 $0x4000, s31;
	s1 =	sadd.s32 s1, s30  }
0xbb: {  	s0 =	sor.u32 s3, s0;
	s1 =	sshll.u32 s1, $0x11  }
0xbc: {  	s0 =	sor.u32 s1, s0  }
0xbd: {  	s0 =	sadd.s32 $0x8F2B, s0  }
0xbe: {  	[sflag:s0] =	ssyncadd.remote.s32 $0x1  }
0xbf: {  	_ =	sfence.sel $0xFFFF  }
0xc0: {  	[dreg:$0x0] =	wrdreg $0xFFFFFFFF;
	(pc) =	sbr.abs _section_cstart, $3  }
0xc1: {  	[dreg:$0x1] =	wrdreg $0xFFFFFFFF  }
0xc2: {  	_ =	task.clear_ibuf [dreg:s6], $0x2FFFF;
	_ =	strace $0x9FFFFFFF  }
0xc3: {  	(tm) =	ssettm $0x7FFFFFFF  }
tec
execute0_lowered:
.L_overlay_start_1:
0x0: {  	(tag) =	ssettag $0x1  }
0x1: {  	s5 =	rddreg [dreg:$0x0]  }
0x2: {  	s2 =	rddreg [dreg:$0x1]  }
0x3: {  	s3 =	rddreg [dreg:$0x2]  }
0x4: {  	s0 =	rddreg [dreg:$0x3]  }
0x5: {  	s1 =	stileid.u32;
	s6 =	srdreg.scid  }
0x6: {  	s4 =	simm.s32 $0x0;
	s12 =	simm.s32 $0x2800;
	s15 =	simm.s32 $0x5100  }
0x7: {  	s16 =	simm.s32 $0x80;
	s17 =	simm.s32 $0x5000;
	s18 =	simm.s32 $0x5080  }
0x8: {  	s19 =	simm.s32 $0x1;
	s20 =	simm.s32 $0x2;
	s21 =	simm.s32 $0x3  }
0x9: {  	s22 =	simm.s32 $0x4;
	s23 =	simm.s32 $0x4F00;
	s24 =	simm.s32 $0x4F80  }
0xa: {  	s26 =	simm.s32 $0x0;
	s8 =	smul.u32 $0x280, s1;
	s6 =	sand.u32 $0x1, s6  }
0xb: {  	[smem:$0x7FF] =	sst s4;
	s13 =	sshll.u32 s1, $0x6;
	s7 =	sshll.u32 s6, $0x4  }
0xc: {  	s9 =	smul.u32 $0x2800, s6;
	_ =	strace $0x8000004A;
	s6 =	ssub.s32 $0x2, s6  }
0xd: {  	s13 =	sor.u32 $0x1C05, s13;
	s10 =	sshrl.u32 s8, $0x3;
	s7 =	sor.u32 s1, s7  }
0xe: {  	s11 =	sshrl.u32 s6, $0x1;
	s14 =	sadd.s32 s8, s2;
	s7 =	smul.u32 $0x500, s7  }
0xf: {  	s9 =	sadd.s32 s8, s9;
	s10 =	sadd.s32 s10, s5;
	s11 =	ssub.s32 s6, s11  }
0x10: {  	s8 =	sadd.s32 s8, s3;
	s14 =	sshrl.u32 s14, $0x3;
	s9 =	sshrl.u32 s9, $0x3  }
0x11: {  	s25 =	sshrl.u32 s8, $0x3;
	s7 =	sadd.s32 s7, s5;
	s9 =	sadd.s32 s9, s5  }
0x12: {  	s5 =	sadd.s32 $0xBC00, s7;
	s6 =	sadd.s32 $0x1C00, s7;
	s7 =	sadd.s32 $0x15C00, s10  }
0x13: {  	v0 =	vimm.f32 $0.0e+00;
	s9 =	sadd.s32 $0x16200, s9;
	s10 =	smax.u32 s11, $0x1;
	s11 =	simm.s32 $0x5  }
.LBB2_1:
0x14: {  	[tilespmem:$0x5100] =	vst v0  }
0x15: {  	[tilespmem:$0x5110] =	vst v0  }
0x16: {  	[tilespmem:$0x5120] =	vst v0  }
0x17: {  	[tilespmem:$0x5130] =	vst v0  }
0x18: {  	[tilespmem:$0x5140] =	vst v0  }
0x19: {  	[tilespmem:$0x5150] =	vst v0  }
0x1a: {  	[tilespmem:$0x5160] =	vst v0  }
0x1b: {  	[tilespmem:$0x5170] =	vst v0  }
0x1c: {  	[tilespmem:$0x5180] =	vst v0  }
0x1d: {  	[tilespmem:$0x5190] =	vst v0  }
0x1e: {  	[tilespmem:$0x51A0] =	vst v0  }
0x1f: {  	[tilespmem:$0x51B0] =	vst v0  }
0x20: {  	[tilespmem:$0x51C0] =	vst v0  }
0x21: {  	[tilespmem:$0x51D0] =	vst v0  }
0x22: {  	[tilespmem:$0x51E0] =	vst v0  }
0x23: {  	[tilespmem:$0x51F0] =	vst v0  }
0x24: {  	[tilespmem:$0x5200] =	vst v0  }
0x25: {  	[tilespmem:$0x5210] =	vst v0  }
0x26: {  	[tilespmem:$0x5220] =	vst v0  }
0x27: {  	[tilespmem:$0x5230] =	vst v0  }
0x28: {  	[tilespmem:$0x5240] =	vst v0  }
0x29: {  	[tilespmem:$0x5250] =	vst v0  }
0x2a: {  	[tilespmem:$0x5260] =	vst v0  }
0x2b: {  	[tilespmem:$0x5270] =	vst v0  }
0x2c: {  	[tilespmem:$0x5280] =	vst v0  }
0x2d: {  	[tilespmem:$0x5290] =	vst v0  }
0x2e: {  	[tilespmem:$0x52A0] =	vst v0  }
0x2f: {  	[tilespmem:$0x52B0] =	vst v0  }
0x30: {  	[tilespmem:$0x52C0] =	vst v0  }
0x31: {  	[tilespmem:$0x52D0] =	vst v0  }
0x32: {  	[tilespmem:$0x52E0] =	vst v0  }
0x33: {  	[tilespmem:$0x52F0] =	vst v0  }
0x34: {  	[tilespmem:$0x5300] =	vst v0  }
0x35: {  	[tilespmem:$0x5310] =	vst v0  }
0x36: {  	[tilespmem:$0x5320] =	vst v0  }
0x37: {  	[tilespmem:$0x5330] =	vst v0  }
0x38: {  	[tilespmem:$0x5340] =	vst v0  }
0x39: {  	[tilespmem:$0x5350] =	vst v0  }
0x3a: {  	[tilespmem:$0x5360] =	vst v0  }
0x3b: {  	[tilespmem:$0x5370] =	vst v0  }
0x3c: {  	[tilespmem:s4], [sflag:$0x5] =	stream.linear.gather [hbm4b:s5+s4], $0x2800, $0x38;
	[tilespmem:$0x5880] =	vst v63  }
0x3d: {  	_ =	swait.ge [sflag:s11], $0x2800  }
0x3e: {  	[sflag:s11] =	ssyncset.done $0x0  }
0x3f: {  	[sflag:s11] =	ssyncadd.s32 $0xFFFFD800  }
0x40: {  	[tilespmem:s12], [sflag:$0x5] =	stream.linear.gather [hbm4b:s6+s4], $0x2800, $0x38;
	[tilespmem:$0x5880] =	vst v63  }
0x41: {  	_ =	swait.ge [sflag:s11], $0x2800  }
0x42: {  	[sflag:s11] =	ssyncset.done $0x0  }
0x43: {  	[sflag:s11] =	ssyncadd.s32 $0xFFFFD800  }
0x44: {  	[spmem:s14], [sflag:s13] =	dma.local [hbm:s7], $0x50  }
0x45: {  	_ =	swait.ge [sflag:s11], $0x50  }
0x46: {  	[sflag:s11] =	ssyncset.done $0x0  }
0x47: {  	[sflag:s11] =	ssyncadd.s32 $0xFFFFFFB0  }
0x48: {  	[spmem:s8] =	stream.linear.scatter [tilespmem:s15], [sflag:$0x5], $0x280, $0x38;
	[tilespmem:$0x5880] =	vst v63  }
0x49: {  	_ =	swait.ge [sflag:s11], $0x280  }
0x4a: {  	[sflag:s11] =	ssyncset.done $0x0  }
0x4b: {  	[sflag:s11] =	ssyncadd.s32 $0xFFFFFD80  }
0x4c: {  	[bflag:$0x0] =	sbarrier.arrive $0xFFFF  }
0x4d: {  	[tilespmem:s17], [sflag:$0x1] =	stream.indirect.gather [spmem:s2], $0x1, s4, s16, $0xb8;
	[tilespmem:$0x5880] =	vst v63  }
0x4e: {  	_ = 	snop  }
0x4f: {  	[tilespmem:s18], [sflag:$0x2] =	stream.indirect.gather [spmem:s2], $0x1, s16, s16, $0xb8;
	[tilespmem:$0x5880] =	vst v63  }
0x50: {  	_ =	swait.ge [sflag:s19], $0x80  }
0x51: {  	[sflag:s19] =	ssyncset.done $0x0  }
0x52: {  	s28 =	simm.s32 $0x2800;
	[sflag:s19] =	ssyncadd.s32 $0xFFFFFF80  }
0x53: {  	[spmem:s3] =	stream.indirect.scatter.add.f32 [tilespmem:s17], [sflag:$0x3], $0x1, s28, s16, $0xb8;
	[tilespmem:$0x5880] =	vst v63  }
0x54: {  	_ =	swait.ge [sflag:s20], $0x80  }
0x55: {  	[sflag:s20] =	ssyncset.done $0x0  }
0x56: {  	s28 =	simm.s32 $0x2880;
	[sflag:s20] =	ssyncadd.s32 $0xFFFFFF80  }
0x57: {  	[spmem:s3] =	stream.indirect.scatter.add.f32 [tilespmem:s18], [sflag:$0x4], $0x1, s28, s16, $0xb8;
	[tilespmem:$0x5880] =	vst v63  }
0x58: {  	_ =	swait.ge [sflag:s21], $0x80  }
0x59: {  	[sflag:s21] =	ssyncset.done $0x0  }
0x5a: {  	s28 =	simm.s32 $0x100;
	[sflag:s21] =	ssyncadd.s32 $0xFFFFFF80  }
0x5b: {  	[tilespmem:s17], [sflag:$0x1] =	stream.indirect.gather [spmem:s2], $0x1, s28, s16, $0xb8;
	[tilespmem:$0x5880] =	vst v63  }
0x5c: {  	_ =	swait.ge [sflag:s22], $0x80  }
0x5d: {  	[sflag:s22] =	ssyncset.done $0x0  }
0x5e: {  	s29 =	simm.s32 $0x180;
	s28 =	simm.s32 $0x400;
	[sflag:s22] =	ssyncadd.s32 $0xFFFFFF80  }
.LBB2_2:
0x5f: {  	[tilespmem:s18], [sflag:$0x2] =	stream.indirect.gather [spmem:s2], $0x1, s29, s16, $0xb8;
	[tilespmem:$0x5880] =	vst v63  }
0x60: {  	s29 =	smov.u32 s28  }
0x61: {  	p0 =	sne.s32 s28, $0x9800;
	s28 =	sadd.s32 $0x400, s28;
	_ =	swait.ge [sflag:s19], $0x80  }
0x62: {  	s29 =	sshra.s32 s29, $0x2;
	[sflag:s19] =	ssyncset.done $0x0  }
0x63: {  	s30 =	sadd.s32 $0x2800, s29;
	[sflag:s19] =	ssyncadd.s32 $0xFFFFFF80  }
0x64: {  	[spmem:s3] =	stream.indirect.scatter.add.f32 [tilespmem:s17], [sflag:$0x3], $0x1, s30, s16, $0xb8;
	[tilespmem:$0x5880] =	vst v63  }
0x65: {  	_ =	swait.ge [sflag:s20], $0x80  }
0x66: {  	[sflag:s20] =	ssyncset.done $0x0  }
0x67: {  	s30 =	sadd.s32 $0x2880, s29;
	[sflag:s20] =	ssyncadd.s32 $0xFFFFFF80  }
0x68: {  	[spmem:s3] =	stream.indirect.scatter.add.f32 [tilespmem:s18], [sflag:$0x4], $0x1, s30, s16, $0xb8;
	[tilespmem:$0x5880] =	vst v63  }
0x69: {  	_ =	swait.ge [sflag:s21], $0x80  }
0x6a: {  	[sflag:s21] =	ssyncset.done $0x0  }
.Ltmp0:
0x6b: {  	s30 =	sadd.s32 $0x100, s29;
	[sflag:s21] =	ssyncadd.s32 $0xFFFFFF80;
	(pc) =	sbr.rel @p0 .LBB2_2-.Ltmp0, $4  }
0x6c: {  	[tilespmem:s17], [sflag:$0x1] =	stream.indirect.gather [spmem:s2], $0x1, s30, s16, $0xb8;
	[tilespmem:$0x5880] =	vst v63  }
0x6d: {  	_ =	swait.ge [sflag:s22], $0x80  }
0x6e: {  	[sflag:s22] =	ssyncset.done $0x0  }
0x6f: {  	s29 =	sadd.s32 $0x180, s29;
	[sflag:s22] =	ssyncadd.s32 $0xFFFFFF80  }
0x70: {  	[tilespmem:s18], [sflag:$0x2] =	stream.indirect.gather [spmem:s2], $0x1, s29, s16, $0xb8;
	[tilespmem:$0x5880] =	vst v63  }
0x71: {  	_ =	swait.ge [sflag:s19], $0x80  }
0x72: {  	[sflag:s19] =	ssyncset.done $0x0  }
0x73: {  	[sflag:s19] =	ssyncadd.s32 $0xFFFFFF80  }
0x74: {  	[spmem:s3] =	stream.indirect.scatter.add.f32 [tilespmem:s17], [sflag:$0x3], $0x1, s23, s16, $0xb8;
	[tilespmem:$0x5880] =	vst v63  }
0x75: {  	_ =	swait.ge [sflag:s20], $0x80  }
0x76: {  	[sflag:s20] =	ssyncset.done $0x0  }
0x77: {  	[sflag:s20] =	ssyncadd.s32 $0xFFFFFF80  }
0x78: {  	[spmem:s3] =	stream.indirect.scatter.add.f32 [tilespmem:s18], [sflag:$0x4], $0x1, s24, s16, $0xb8;
	[tilespmem:$0x5880] =	vst v63  }
0x79: {  	_ =	swait.ge [sflag:s21], $0x80  }
0x7a: {  	[sflag:s21] =	ssyncset.done $0x0  }
0x7b: {  	[sflag:s21] =	ssyncadd.s32 $0xFFFFFF80  }
0x7c: {  	_ =	swait.ge [sflag:s22], $0x80  }
0x7d: {  	s26 =	sadd.s32 $0x1, s26;
	[sflag:s22] =	ssyncset.done $0x0  }
0x7e: {  	p0 =	sne.s32 s26, s10;
	[sflag:s22] =	ssyncadd.s32 $0xFFFFFF80  }
.Ltmp1:
0x7f: {  	[bflag:$0x0] =	sbarrier.arrive $0xFFFF;
	(pc) =	sbr.rel @p0 .LBB2_1-.Ltmp1, $4  }
0x80: {  	[hbm:s9], [sflag:s13] =	dma.local [spmem:s25], $0x50  }
0x81: {  	_ =	swait.ge [sflag:s11], $0x50  }
0x82: {  	[sflag:s11] =	ssyncset.done $0x0  }
0x83: {  	[sflag:s11] =	ssyncadd.s32 $0xFFFFFFB0  }
0x84: {  	_ =	sfence.sel $0x180000  }
0x85: {  	[bflag:$0x0] =	sbarrier.arrive $0xFFFF  }
0x86: {  	p0 =	sne.s32 s1, $0x0;
	_ =	strace $0x9000004A  }
0x87: {  	s0 =	sadd.s32 @!p0 $0x100000, s0;
	[bflag:$0x2] =	sbarrier.arrive $0xFFFF  }
0x88: {  	[sflag:s0] =	ssyncadd.tile.s32 @!p0 $0x1;
	_ =	shalt  }
.Lfunc_end2:
_tile_overlayer_lowered:
.L_overlay_start_2:
0x89: {  	(tag) =	ssettag $0x2  }
0x8a: {  	s0 =	rddreg [dreg:$0x0];
	s2 =	stileid.u32  }
0x8b: {  	s1 =	rddreg [dreg:$0x1];
	p0 =	sne.s32 s2, $0x0  }
0x8c: {  	s3 =	rddreg [dreg:$0x2];
	[bflag:$0x3] =	sbarrier.arrive $0xFFFF;
	s2 =	simm.s32 @!p0 $0x1C05  }
0x8d: {  	[timem:s3], [sflag:s2] =	dma.local @!p0 [hbm:s0], s1  }
0x8e: {  	s0 =	simm.s32 @!p0 $0x5  }
0x8f: {  	_ =	swait.ge @!p0 [sflag:s0], s1  }
0x90: {  	s1 =	ssub.s32 @!p0 $0x0, s1;
	[sflag:s0] =	ssyncset.done @!p0 $0x0  }
0x91: {  	[sflag:s0] =	ssyncadd.s32 @!p0 s1  }
0x92: {  	[bflag:$0x3] =	sbarrier.arrive $0xFFFF  }
0x93: {  	_ =	shalt  }

// kernel: kernel.7.cloned.1.call-start
scs
__scs_entry_jumppad:
0x0: {  	(pc) =	sbr.rel $0x88, $3  }
0x1: {  	(tag) =	ssettag $0x0;
	lr =	simm.s32 $0x1  }
0x2: {  	[smem:$0x3F99] =	sst lr;
	_ =	strace $0xD0000000  }
0x3: {  	_ = 	snop  }
0x4: {  	_ = 	snop  }
0x5: {  	_ = 	snop  }
0x6: {  	_ = 	snop  }
0x7: {  	_ = 	snop  }
__scs_overlays_trampoline_lowered:
0x8: {  	[smem:$0x3FA8] =	sst s0  }
0x9: {  	[smem:$0x3FA9] =	sst s1  }
0xa: {  	[smem:$0x3FAA] =	sst s2  }
0xb: {  	[smem:$0x3FAB] =	sst s3  }
0xc: {  	[smem:$0x3FAC] =	sst s4  }
0xd: {  	[smem:$0x3FAD] =	sst s5  }
0xe: {  	[smem:$0x3FAE] =	sst s6  }
0xf: {  	[smem:$0x3FAF] =	sst s7  }
0x10: {  	[smem:$0x3FB0] =	sst s8  }
0x11: {  	[smem:$0x3FB1] =	sst s9;
	s0 =	simm.s32 @!p0 $0x0  }
0x12: {  	s1 =	sld [smem:$0x3F97];
	s0 =	simm.s32 @p0 $0x1  }
0x13: {  	[smem:$0x3FB2] =	sst s0;
	s0 =	simm.s32 @!p1 $0x0  }
0x14: {  	s2 =	sld [smem:$0x3F96];
	s0 =	simm.s32 @p1 $0x1  }
0x15: {  	[smem:$0x3FB3] =	sst s0;
	s0 =	simm.s32 @!p2 $0x0  }
0x16: {  	s3 =	sld [smem:$0x3FDB];
	s0 =	simm.s32 @p2 $0x1  }
0x17: {  	s4 =	simm.s32 $0x1BF5;
	[smem:$0x3FB5] =	sst s0  }
0x18: {  	s0 =	sld [smem:$0x3F98];
	_ =	swait.ge [sflag:s4], $0x0  }
0x19: {  	s7 =	sld [smem:$0x3F99]  }
0x1a: {  	s8 =	sadd.s32 $0xFFFFE003, lr  }
0x1b: {  	s9 =	sadd.s32 $0xFFFFFEF7, lr;
	s5 =	simm.s32 $0xFFFFFFFF;
	p2 =	slt.u32 s8, $0xFFFFF086  }
0x1c: {  	p1 =	slt.u32 s9, $0xF7A;
	s5 =	simm.s32 @!p2 $0x0  }
0x1d: {  	s5 =	simm.s32 @p1 $0x1;
	p0 =	seq.s32 s7, s2  }
0x1e: {  	s7 =	smul.u32 @!p0 $0xF7A, s2;
	p2 =	seq.s32 @!p0 s5, $0x0  }
0x1f: {  	s9 =	smul.u32 $0xF7A, s1;
	s8 =	simm.s32 @!p0 $0x1BF5;
	p2 =	por !p2, p0  }
0x20: {  	[sflag:s8] =	ssyncset.s32 @!p0 $0xFFFFF086;
	s6 =	sadd.s32 @!p0 s3, s7;
	s7 =	simm.s32 @!p0 $0x108  }
0x21: {  	s3 =	sadd.s32 s3, s9;
	s6 =	sadd.s32 @!p0 $0x88, s6;
	s7 =	simm.s32 @p2 $0x1082  }
0x22: {  	[simem:s7], [sflag:s8] =	dma.local @!p0 [hbm:s6], $0xF7A  }
0x23: {  	s9 =	sor.u32 $0xD0000000, s2;
	s6 =	simm.s32 $0x108;
	_ =	swait.ge @!p0 [sflag:s8], $0x0  }
0x24: {  	s3 =	sadd.s32 $0x88, s3;
	s6 =	simm.s32 @!p1 $0x1082;
	[sflag:s4] =	ssyncset.s32 $0xFFFFF086  }
0x25: {  	[simem:s6], [sflag:s4] =	dma.local [hbm:s3], $0xF7A  }
0x26: {  	[smem:$0x3F99] =	sst s1;
	(tag) =	ssettag s2;
	_ =	strace s9  }
0x27: {  	s1 =	sld [smem:$0x3FA9]  }
0x28: {  	s2 =	sld [smem:$0x3FAA]  }
0x29: {  	s4 =	sld [smem:$0x3FAC]  }
0x2a: {  	p0 =	seq.s32 s5, $0x0;
	s5 =	sld [smem:$0x3FAD]  }
0x2b: {  	s6 =	sld [smem:$0x3FAE]  }
0x2c: {  	s7 =	sld [smem:$0x3FAF]  }
0x2d: {  	s3 =	simm.s32 $0x108;
	s8 =	sld [smem:$0x3FB0]  }
0x2e: {  	s3 =	simm.s32 @!p0 $0x1082;
	s9 =	sld [smem:$0x3FB1]  }
0x2f: {  	lr =	sadd.s32 s0, s3;
	s0 =	sld [smem:$0x3FA8]  }
0x30: {  	s3 =	sld [smem:$0x3FAB]  }
0x31: {  	[smem:$0x3FB4] =	sst s10  }
0x32: {  	s10 =	sld [smem:$0x3FB2];
	_ =	sdelay $0x3  }
0x33: {  	p0 =	seq.s32 s10, $0x1;
	s10 =	sld [smem:$0x3FB4];
	_ =	sdelay $0x3  }
0x34: {  	[smem:$0x3FB4] =	sst s10  }
0x35: {  	s10 =	sld [smem:$0x3FB3];
	_ =	sdelay $0x3  }
0x36: {  	p1 =	seq.s32 s10, $0x1;
	s10 =	sld [smem:$0x3FB4];
	_ =	sdelay $0x3  }
0x37: {  	[smem:$0x3FB4] =	sst s10  }
0x38: {  	s10 =	sld [smem:$0x3FB5]  }
0x39: {  	_ = 	snop;
	(pc) =	sbr.ind lr, $3  }
0x3a: {  	_ = 	snop  }
0x3b: {  	_ = 	snop  }
0x3c: {  	p2 =	seq.s32 s10, $0x1;
	s10 =	sld [smem:$0x3FB4]  }
0x3d: {  	_ =	shalt  }
0x3e: {  	_ =	shalt  }
0x3f: {  	_ =	shalt  }
0x40: {  	_ =	shalt  }
0x41: {  	_ =	shalt  }
0x42: {  	_ =	shalt  }
0x43: {  	_ =	shalt  }
0x44: {  	_ =	shalt  }
0x45: {  	_ =	shalt  }
0x46: {  	_ =	shalt  }
0x47: {  	_ =	shalt  }
0x48: {  	_ =	shalt  }
0x49: {  	_ =	shalt  }
0x4a: {  	_ =	shalt  }
0x4b: {  	_ =	shalt  }
0x4c: {  	_ =	shalt  }
0x4d: {  	_ =	shalt  }
0x4e: {  	_ =	shalt  }
0x4f: {  	_ =	shalt  }
0x50: {  	_ =	shalt  }
0x51: {  	_ =	shalt  }
0x52: {  	_ =	shalt  }
0x53: {  	_ =	shalt  }
0x54: {  	_ =	shalt  }
0x55: {  	_ =	shalt  }
0x56: {  	_ =	shalt  }
0x57: {  	_ =	shalt  }
0x58: {  	_ =	shalt  }
0x59: {  	_ =	shalt  }
0x5a: {  	_ =	shalt  }
0x5b: {  	_ =	shalt  }
0x5c: {  	_ =	shalt  }
0x5d: {  	_ =	shalt  }
0x5e: {  	_ =	shalt  }
0x5f: {  	_ =	shalt  }
0x60: {  	_ =	shalt  }
0x61: {  	_ =	shalt  }
0x62: {  	_ =	shalt  }
0x63: {  	_ =	shalt  }
0x64: {  	_ =	shalt  }
0x65: {  	_ =	shalt  }
0x66: {  	_ =	shalt  }
0x67: {  	_ =	shalt  }
0x68: {  	_ =	shalt  }
0x69: {  	_ =	shalt  }
0x6a: {  	_ =	shalt  }
0x6b: {  	_ =	shalt  }
0x6c: {  	_ =	shalt  }
0x6d: {  	_ =	shalt  }
0x6e: {  	_ =	shalt  }
0x6f: {  	_ =	shalt  }
0x70: {  	_ =	shalt  }
0x71: {  	_ =	shalt  }
0x72: {  	_ =	shalt  }
0x73: {  	_ =	shalt  }
0x74: {  	_ =	shalt  }
0x75: {  	_ =	shalt  }
0x76: {  	_ =	shalt  }
0x77: {  	_ =	shalt  }
0x78: {  	_ =	shalt  }
0x79: {  	_ =	shalt  }
0x7a: {  	_ =	shalt  }
0x7b: {  	_ =	shalt  }
0x7c: {  	_ =	shalt  }
0x7d: {  	_ =	shalt  }
0x7e: {  	_ =	shalt  }
0x7f: {  	_ =	shalt  }
0x80: {  	_ =	shalt  }
0x81: {  	_ =	shalt  }
0x82: {  	_ =	shalt  }
0x83: {  	_ =	shalt  }
0x84: {  	_ =	shalt  }
0x85: {  	_ =	shalt  }
0x86: {  	_ =	shalt  }
0x87: {  	_ =	shalt  }
.Lfunc_end0:
.L_simem_size_0:
called_computation_lowered:
.L_overlay_start_0:
0x88: {  	s2 =	sld [smem:$0x3FD9]  }
0x89: {  	s3 =	sld [smem:$0x3FFE];
	_ =	sdelay $0x1  }
0x8a: {  	s1 =	srdreg.scid  }
0x8b: {  	s0 =	sand.u32 $0x1, s1  }
0x8c: {  	s16 =	sshll.u32 s0, $0xA;
	s2 =	sadd.s32 s3, s2  }
0x8d: {  	s2 =	sadd.s32 s2, s16  }
0x8e: {  	[smem:$0x3FC0] =	sst s2  }
0x8f: {  	_ = 	snop  }
0x90: {  	(tm) =	ssettm $0x1  }
0x91: {  	s17 =	sld [smem:$0x3FFB];
	_ =	sdelay $0x3  }
0x92: {  	_ =	strace s17  }
0x93: {  	s2 =	sld [smem:$0x3FFC];
	_ =	sdelay $0x3  }
0x94: {  	_ =	strace s2  }
0x95: {  	s2 =	sld [smem:$0x3FFD];
	_ =	sdelay $0x3  }
0x96: {  	_ =	strace s2  }
0x97: {  	_ =	strace $0x8FFFFFFF  }
0x98: {  	s18 =	sld [smem:$0x3FDB];
	_ =	sdelay $0x1  }
0x99: {  	s19 =	simm.s32 $_scs_section_size  }
0x9a: {  	s4 =	simm.s32 $_size__tile_overlayer_lowered;
	s5 =	simm.s32 $_tile_overlayer_lowered  }
0x9b: {  	s22 =	simm.s32 $0x1BFF;
	s21 =	sshll.u32 s5, $0x1;
	s2 =	sadd.s32 s19, s18  }
0x9c: {  	s6 =	simm.s32 $0x0;
	s20 =	sshll.u32 s4, $0x1;
	s4 =	sadd.s32 s21, s2  }
0x9d: {  	[timem:s6], [sflag:s22] =	dma.local [hbm:s4], s20  }
0x9e: {  	_ =	swait.ge [sflag:s22], s20  }
0x9f: {  	s3 =	ssub.s32 $0x0, s20;
	[sflag:s22] =	ssyncset.done $0x0  }
0xa0: {  	[sflag:s22] =	ssyncadd.s32 s3;
	_ =	sdelay $0x1  }
0xa1: {  	s23 =	simm.s32 $0x1B8B  }
0xa2: {  	_ =	swait.ge [sflag:s23], $0x1  }
0xa3: {  	[sflag:s23] =	ssyncset.done $0x0  }
0xa4: {  	s25 =	simm.s32 $0x1B8E;
	s24 =	sld [smem:$0x3FFE];
	[sflag:s23] =	ssyncadd.s32 $0xFFFFFFFF  }
0xa5: {  	s26 =	simm.s32 $execute0_lowered;
	[smem:$0x3FD2] =	sst s25  }
0xa6: {  	s4 =	sshll.u32 s26, $0x1;
	_ =	strace $0x80000046;
	[dreg:$0x1] =	wrdreg $0xFFFFFFFF  }
0xa7: {  	s28 =	simm.s32 $_size_execute0_lowered;
	s2 =	sadd.s32 s2, s4;
	[dreg:$0x0] =	wrdreg $0x0  }
0xa8: {  	s4 =	sshll.u32 s28, $0x1;
	[dreg:$0x2] =	wrdreg s2  }
0xa9: {  	[dreg:$0x3] =	wrdreg s4  }
0xaa: {  	[dreg:$0x4] =	wrdreg $0xC0  }
0xab: {  	_ =	task [dreg:s6], $0x5FFFF  }
0xac: {  	[dreg:$0x1] =	wrdreg $0xFFFFFFFF  }
0xad: {  	[dreg:$0x0] =	wrdreg $0x60  }
0xae: {  	[dreg:$0x2] =	wrdreg s24  }
0xaf: {  	[dreg:$0x3] =	wrdreg $0x93000  }
0xb0: {  	[dreg:$0x4] =	wrdreg $0x133000  }
0xb1: {  	[dreg:$0x5] =	wrdreg $0x1D3000  }
0xb2: {  	[dreg:$0x6] =	wrdreg $0x9  }
0xb3: {  	_ =	task.clear_ibuf [dreg:s6], $0x7FFFF;
	_ =	strace $0x90000046  }
0xb4: {  	s29 =	simm.s32 $0x9;
	_ =	strace $0x80000048  }
0xb5: {  	_ =	swait.ge [sflag:s29], $0x1  }
0xb6: {  	[sflag:s29] =	ssyncadd.s32 $0xFFFFFFFF  }
0xb7: {  	_ =	strace $0x90000048  }
0xb8: {  	_ =	sfence  }
0xb9: {  	s30 =	sld [smem:$0x0];
	_ =	sdelay $0x2  }
0xba: {  	s31 =	sshll.u32 s1, $0xD;
	s1 =	sshrl.u32 s1, $0x2  }
0xbb: {  	s3 =	sand.u32 $0x4000, s31;
	s1 =	sadd.s32 s1, s30  }
0xbc: {  	s0 =	sor.u32 s3, s0;
	s1 =	sshll.u32 s1, $0x11  }
0xbd: {  	s0 =	sor.u32 s1, s0  }
0xbe: {  	s0 =	sadd.s32 $0x8F2B, s0  }
0xbf: {  	[sflag:s0] =	ssyncadd.remote.s32 $0x1  }
0xc0: {  	_ =	sfence.sel $0xFFFF  }
0xc1: {  	[dreg:$0x0] =	wrdreg $0xFFFFFFFF;
	(pc) =	sbr.abs _section_cstart, $3  }
0xc2: {  	[dreg:$0x1] =	wrdreg $0xFFFFFFFF  }
0xc3: {  	_ =	task.clear_ibuf [dreg:s6], $0x2FFFF;
	_ =	strace $0x9FFFFFFF  }
0xc4: {  	(tm) =	ssettm $0x7FFFFFFF  }
0xc5: {  	_ =	shalt  }
tec
execute0_lowered:
.L_overlay_start_1:
0x0: {  	(tag) =	ssettag $0x1  }
0x1: {  	s0 =	rddreg [dreg:$0x0]  }
0x2: {  	s2 =	srdreg.scid;
	s1 =	rddreg [dreg:$0x1]  }
0x3: {  	s3 =	rddreg [dreg:$0x2];
	s11 =	stileid.u32  }
0x4: {  	s4 =	rddreg [dreg:$0x3];
	s18 =	simm.s32 $0x7;
	s28 =	simm.s32 $0x2  }
0x5: {  	s29 =	simm.s32 $0x3;
	s30 =	simm.s32 $0x5;
	s6 =	smul.u32 $0xA000, s11  }
0x6: {  	s31 =	simm.s32 $0x4;
	s2 =	sand.u32 $0x1, s2;
	s14 =	smul.u32 $0x280, s11  }
0x7: {  	s19 =	simm.s32 $0x4F80;
	s5 =	sshll.u32 s2, $0x4;
	s8 =	smul.u32 $0xA0000, s2  }
0x8: {  	s10 =	smul.u32 $0x2800, s2;
	s2 =	ssub.s32 $0x2, s2;
	s7 =	sor.u32 s11, s5  }
0x9: {  	s5 =	simm.s32 $0x0;
	s9 =	sshrl.u32 s6, $0x3;
	s11 =	smul.u32 $0x28000, s11  }
0xa: {  	s21 =	sshrl.u32 s2, $0x1;
	s23 =	sadd.s32 s6, s1;
	s7 =	smul.u32 $0x500, s7  }
0xb: {  	[smem:$0x7FF] =	sst s5;
	s8 =	sadd.s32 s6, s8;
	s9 =	sadd.s32 s9, s0  }
0xc: {  	s20 =	sadd.s32 s14, s10;
	s2 =	ssub.s32 s2, s21;
	s14 =	sadd.s32 s14, s4  }
0xd: {  	s21 =	simm.s32 $0x5000;
	_ =	strace $0x80000047;
	s8 =	sshrl.u32 s8, $0x3  }
0xe: {  	s24 =	sshrl.u32 s11, $0x2;
	s25 =	sadd.s32 $0x15C00, s9;
	s9 =	sadd.s32 s6, s3  }
0xf: {  	s17 =	smax.u32 s2, $0x1;
	s2 =	simm.s32 $0x6;
	s7 =	sadd.s32 s7, s0  }
0x10: {  	s15 =	sadd.s32 s8, s0;
	s8 =	sshrl.u32 s20, $0x3;
	[dreg:$0x7] =	wrdreg s25  }
0x11: {  	s26 =	sadd.s32 s24, s3;
	s20 =	sshrl.u32 s23, $0x3;
	s23 =	simm.s32 $0x80  }
0x12: {  	s24 =	simm.s32 $0x7000;
	s25 =	simm.s32 $0x1;
	s0 =	sadd.s32 s8, s0  }
0x13: {  	s22 =	sadd.s32 $0xBC00, s7;
	s7 =	sadd.s32 $0x1C00, s7;
	s10 =	sadd.s32 $0x2000, s26  }
0x14: {  	s11 =	sadd.s32 $0x4000, s26;
	s12 =	sadd.s32 $0x6000, s26;
	s13 =	sadd.s32 $0x8000, s26  }
0x15: {  	s15 =	sadd.s32 $0x2A600, s15;
	s26 =	simm.s32 $0x9000;
	[dreg:$0x5] =	wrdreg s22  }
0x16: {  	v0 =	vimm.f32 $0.0e+00;
	v1 =	vimm.f32 $1.000000000e+00;
	[dreg:$0x6] =	wrdreg s7;
	s16 =	sadd.s32 $0x29C00, s0;
	s0 =	simm.s32 $0x4F00  }
.LBB2_1:
0x17: {  	s22 =	simm.s32 $0x100;
	s6 =	simm.s32 $0x0  }
.LBB2_2:
0x18: {  	p0 =	sne.s32 s22, $0x7F00;
	[tilespmem:s6+$0x5030] =	vst v0;
	s7 =	smov.u32 s22;
	s22 =	sadd.s32 $0x100, s22  }
.Ltmp0:
0x19: {  	[tilespmem:s6+$0x5020] =	vst v0;
	(pc) =	sbr.rel @p0 .LBB2_2-.Ltmp0, $3  }
0x1a: {  	[tilespmem:s6+$0x5000] =	vst v0  }
0x1b: {  	[tilespmem:s6+$0x5010] =	vst v0;
	_ =	sdelay $0x1  }
0x1c: {  	s6 =	sshra.s32 s7, $0x2  }
0x1d: {  	[tilespmem:s6+$0x5030] =	vst v0  }
0x1e: {  	[tilespmem:s6+$0x5020] =	vst v0  }
0x1f: {  	[tilespmem:s6+$0x5000] =	vst v0  }
0x20: {  	[tilespmem:s6+$0x5010] =	vst v0  }
0x21: {  	[tilespmem:$0x9000] =	vst v1  }
0x22: {  	[tilespmem:$0x9010] =	vst v1  }
0x23: {  	[tilespmem:$0x9020] =	vst v1  }
0x24: {  	[tilespmem:$0x9030] =	vst v1  }
0x25: {  	[tilespmem:$0x9040] =	vst v1  }
0x26: {  	[tilespmem:$0x9050] =	vst v1  }
0x27: {  	[tilespmem:$0x9060] =	vst v1  }
0x28: {  	[tilespmem:$0x9070] =	vst v1  }
0x29: {  	[tilespmem:$0x9080] =	vst v0  }
0x2a: {  	[tilespmem:$0x9090] =	vst v0  }
0x2b: {  	[tilespmem:$0x90A0] =	vst v0  }
0x2c: {  	[tilespmem:$0x90B0] =	vst v0  }
0x2d: {  	[tilespmem:$0x90C0] =	vst v0  }
0x2e: {  	[tilespmem:$0x90D0] =	vst v0  }
0x2f: {  	[tilespmem:$0x90E0] =	vst v0  }
0x30: {  	[tilespmem:$0x90F0] =	vst v0  }
0x31: {  	[tilespmem:$0x9100] =	vst v0  }
0x32: {  	[tilespmem:$0x9110] =	vst v0  }
0x33: {  	[tilespmem:$0x9120] =	vst v0  }
0x34: {  	[tilespmem:$0x9130] =	vst v0  }
0x35: {  	[tilespmem:$0x9140] =	vst v0  }
0x36: {  	[tilespmem:$0x9150] =	vst v0  }
0x37: {  	[tilespmem:$0x9160] =	vst v0  }
0x38: {  	[tilespmem:$0x9170] =	vst v0  }
0x39: {  	[tilespmem:$0x9180] =	vst v0  }
0x3a: {  	[tilespmem:$0x9190] =	vst v0  }
0x3b: {  	[tilespmem:$0x91A0] =	vst v0  }
0x3c: {  	[tilespmem:$0x91B0] =	vst v0  }
0x3d: {  	[tilespmem:$0x91C0] =	vst v0  }
0x3e: {  	[tilespmem:$0x91D0] =	vst v0  }
0x3f: {  	[tilespmem:$0x91E0] =	vst v0  }
0x40: {  	[tilespmem:$0x91F0] =	vst v0  }
0x41: {  	[tilespmem:$0x9200] =	vst v0  }
0x42: {  	[tilespmem:$0x9210] =	vst v0  }
0x43: {  	[tilespmem:$0x9220] =	vst v0  }
0x44: {  	[tilespmem:$0x9230] =	vst v0  }
0x45: {  	[tilespmem:$0x9240] =	vst v0  }
0x46: {  	[tilespmem:$0x9250] =	vst v0  }
0x47: {  	[tilespmem:$0x9260] =	vst v0  }
0x48: {  	[tilespmem:$0x9270] =	vst v0  }
0x49: {  	[tilespmem:$0x9280] =	vst v0  }
0x4a: {  	[tilespmem:$0x9290] =	vst v0  }
0x4b: {  	[tilespmem:$0x92A0] =	vst v0  }
0x4c: {  	[tilespmem:$0x92B0] =	vst v0  }
0x4d: {  	[tilespmem:$0x92C0] =	vst v0  }
0x4e: {  	[tilespmem:$0x92D0] =	vst v0  }
0x4f: {  	[tilespmem:$0x92E0] =	vst v0  }
0x50: {  	s6 =	simm.s32 $0x0;
	s7 =	rddreg [dreg:$0x5];
	[tilespmem:$0x92F0] =	vst v0  }
0x51: {  	[tilespmem:s6], [sflag:$0x7] =	stream.linear.gather [hbm4b:s7+s6], $0x2800, $0x38;
	[tilespmem:$0x1D580] =	vst v63  }
0x52: {  	_ =	swait.ge [sflag:s18], $0x2800  }
0x53: {  	[sflag:s18] =	ssyncset.done $0x0  }
0x54: {  	s8 =	simm.s32 $0x2800;
	s22 =	rddreg [dreg:$0x6];
	[sflag:s18] =	ssyncadd.s32 $0xFFFFD800  }
0x55: {  	[tilespmem:s8], [sflag:$0x7] =	stream.linear.gather [hbm4b:s22+s6], $0x2800, $0x38;
	[tilespmem:$0x1D580] =	vst v63  }
0x56: {  	s22 =	stileid.u32;
	_ =	swait.ge [sflag:s18], $0x2800  }
0x57: {  	s7 =	sshll.u32 s22, $0x6;
	[sflag:s18] =	ssyncset.done $0x0  }
0x58: {  	s22 =	sor.u32 $0x1C07, s7;
	s8 =	rddreg [dreg:$0x7];
	[sflag:s18] =	ssyncadd.s32 $0xFFFFD800  }
0x59: {  	[spmem:s20], [sflag:s22] =	dma.local [hbm:s8], $0x1400  }
0x5a: {  	_ =	swait.ge [sflag:s18], $0x1400  }
0x5b: {  	[sflag:s18] =	ssyncset.done $0x0  }
0x5c: {  	[sflag:s18] =	ssyncadd.s32 $0xFFFFEC00  }
0x5d: {  	[spmem:s9] =	stream.linear.scatter [tilespmem:s21], [sflag:$0x7], $0x2000, $0x38;
	[tilespmem:$0x1D580] =	vst v63  }
0x5e: {  	_ =	swait.ge [sflag:s18], $0x2000  }
0x5f: {  	[sflag:s18] =	ssyncset.done $0x0  }
0x60: {  	[sflag:s18] =	ssyncadd.s32 $0xFFFFE000  }
0x61: {  	[spmem:s10] =	stream.linear.scatter [tilespmem:s21], [sflag:$0x7], $0x2000, $0x38;
	[tilespmem:$0x1D580] =	vst v63  }
0x62: {  	_ =	swait.ge [sflag:s18], $0x2000  }
0x63: {  	[sflag:s18] =	ssyncset.done $0x0  }
0x64: {  	[sflag:s18] =	ssyncadd.s32 $0xFFFFE000  }
0x65: {  	[spmem:s11] =	stream.linear.scatter [tilespmem:s21], [sflag:$0x7], $0x2000, $0x38;
	[tilespmem:$0x1D580] =	vst v63  }
0x66: {  	_ =	swait.ge [sflag:s18], $0x2000  }
0x67: {  	[sflag:s18] =	ssyncset.done $0x0  }
0x68: {  	[sflag:s18] =	ssyncadd.s32 $0xFFFFE000  }
0x69: {  	[spmem:s12] =	stream.linear.scatter [tilespmem:s21], [sflag:$0x7], $0x2000, $0x38;
	[tilespmem:$0x1D580] =	vst v63  }
0x6a: {  	_ =	swait.ge [sflag:s18], $0x2000  }
0x6b: {  	[sflag:s18] =	ssyncset.done $0x0  }
0x6c: {  	[sflag:s18] =	ssyncadd.s32 $0xFFFFE000  }
0x6d: {  	[spmem:s13] =	stream.linear.scatter [tilespmem:s21], [sflag:$0x7], $0x2000, $0x38;
	[tilespmem:$0x1D580] =	vst v63  }
0x6e: {  	_ =	swait.ge [sflag:s18], $0x2000  }
0x6f: {  	[sflag:s18] =	ssyncset.done $0x0  }
0x70: {  	s8 =	simm.s32 $0x9080;
	[sflag:s18] =	ssyncadd.s32 $0xFFFFE000  }
0x71: {  	[spmem:s14] =	stream.linear.scatter [tilespmem:s8], [sflag:$0x7], $0x280, $0x38;
	[tilespmem:$0x1D580] =	vst v63  }
0x72: {  	_ =	swait.ge [sflag:s18], $0x280  }
0x73: {  	[sflag:s18] =	ssyncset.done $0x0  }
0x74: {  	[sflag:s18] =	ssyncadd.s32 $0xFFFFFD80  }
0x75: {  	[bflag:$0x0] =	sbarrier.arrive $0xFFFF  }
0x76: {  	[tilespmem:s21], [sflag:$0x1] =	stream.indirect.gather [spmem:s1], $0x40, s6, s23, $0xb8;
	[tilespmem:$0x1D580] =	vst v63  }
0x77: {  	_ = 	snop  }
0x78: {  	[tilespmem:s24], [sflag:$0x2] =	stream.indirect.gather [spmem:s1], $0x40, s23, s23, $0xb8;
	[tilespmem:$0x1D580] =	vst v63  }
0x79: {  	_ =	swait.ge [sflag:s25], $0x2000  }
0x7a: {  	[sflag:s25] =	ssyncset.done $0x0  }
0x7b: {  	s8 =	simm.s32 $0x2800;
	[sflag:s25] =	ssyncadd.s32 $0xFFFFE000  }
0x7c: {  	[spmem:s3] =	stream.indirect.scatter.add.f32 [tilespmem:s21], [sflag:$0x3], $0x40, s8, s23, $0xb8;
	[tilespmem:$0x1D580] =	vst v63  }
0x7d: {  	_ = 	snop  }
0x7e: {  	[spmem:s4] =	stream.indirect.scatter.add.f32 [tilespmem:s26], [sflag:$0x5], $0x1, s8, s23, $0xb8;
	[tilespmem:$0x1D580] =	vst v63  }
0x7f: {  	_ =	swait.ge [sflag:s28], $0x2000  }
0x80: {  	[sflag:s28] =	ssyncset.done $0x0  }
0x81: {  	s7 =	simm.s32 $0x2880;
	[sflag:s28] =	ssyncadd.s32 $0xFFFFE000  }
0x82: {  	[spmem:s3] =	stream.indirect.scatter.add.f32 [tilespmem:s24], [sflag:$0x4], $0x40, s7, s23, $0xb8;
	[tilespmem:$0x1D580] =	vst v63  }
0x83: {  	_ = 	snop  }
0x84: {  	[spmem:s4] =	stream.indirect.scatter.add.f32 [tilespmem:s26], [sflag:$0x6], $0x1, s7, s23, $0xb8;
	[tilespmem:$0x1D580] =	vst v63  }
0x85: {  	_ =	swait.ge [sflag:s29], $0x2000  }
0x86: {  	[sflag:s29] =	ssyncset.done $0x0  }
0x87: {  	[sflag:s29] =	ssyncadd.s32 $0xFFFFE000  }
0x88: {  	_ =	swait.ge [sflag:s30], $0x80  }
0x89: {  	[sflag:s30] =	ssyncset.done $0x0  }
0x8a: {  	s8 =	simm.s32 $0x100;
	[sflag:s30] =	ssyncadd.s32 $0xFFFFFF80  }
0x8b: {  	[tilespmem:s21], [sflag:$0x1] =	stream.indirect.gather [spmem:s1], $0x40, s8, s23, $0xb8;
	[tilespmem:$0x1D580] =	vst v63  }
0x8c: {  	_ =	swait.ge [sflag:s31], $0x2000  }
0x8d: {  	[sflag:s31] =	ssyncset.done $0x0  }
0x8e: {  	[sflag:s31] =	ssyncadd.s32 $0xFFFFE000  }
0x8f: {  	_ =	swait.ge [sflag:s2], $0x80  }
0x90: {  	[sflag:s2] =	ssyncset.done $0x0  }
0x91: {  	s6 =	simm.s32 $0x400;
	s7 =	simm.s32 $0x180;
	[sflag:s2] =	ssyncadd.s32 $0xFFFFFF80  }
.LBB2_4:
0x92: {  	[tilespmem:s24], [sflag:$0x2] =	stream.indirect.gather [spmem:s1], $0x40, s7, s23, $0xb8;
	[tilespmem:$0x1D580] =	vst v63  }
0x93: {  	s7 =	smov.u32 s6  }
0x94: {  	p0 =	sne.s32 s6, $0x9800;
	s6 =	sadd.s32 $0x400, s6;
	_ =	swait.ge [sflag:s25], $0x2000  }
0x95: {  	s7 =	sshra.s32 s7, $0x2;
	[sflag:s25] =	ssyncset.done $0x0  }
0x96: {  	s8 =	sadd.s32 $0x2800, s7;
	[sflag:s25] =	ssyncadd.s32 $0xFFFFE000  }
0x97: {  	[spmem:s3] =	stream.indirect.scatter.add.f32 [tilespmem:s21], [sflag:$0x3], $0x40, s8, s23, $0xb8;
	[tilespmem:$0x1D580] =	vst v63  }
0x98: {  	_ = 	snop  }
0x99: {  	[spmem:s4] =	stream.indirect.scatter.add.f32 [tilespmem:s26], [sflag:$0x5], $0x1, s8, s23, $0xb8;
	[tilespmem:$0x1D580] =	vst v63  }
0x9a: {  	_ =	swait.ge [sflag:s28], $0x2000  }
0x9b: {  	[sflag:s28] =	ssyncset.done $0x0  }
0x9c: {  	s8 =	sadd.s32 $0x2880, s7;
	[sflag:s28] =	ssyncadd.s32 $0xFFFFE000  }
0x9d: {  	[spmem:s3] =	stream.indirect.scatter.add.f32 [tilespmem:s24], [sflag:$0x4], $0x40, s8, s23, $0xb8;
	[tilespmem:$0x1D580] =	vst v63  }
0x9e: {  	_ = 	snop  }
0x9f: {  	[spmem:s4] =	stream.indirect.scatter.add.f32 [tilespmem:s26], [sflag:$0x6], $0x1, s8, s23, $0xb8;
	[tilespmem:$0x1D580] =	vst v63  }
0xa0: {  	_ =	swait.ge [sflag:s29], $0x2000  }
0xa1: {  	[sflag:s29] =	ssyncset.done $0x0  }
0xa2: {  	[sflag:s29] =	ssyncadd.s32 $0xFFFFE000  }
0xa3: {  	_ =	swait.ge [sflag:s30], $0x80  }
0xa4: {  	[sflag:s30] =	ssyncset.done $0x0  }
0xa5: {  	s8 =	sadd.s32 $0x100, s7;
	[sflag:s30] =	ssyncadd.s32 $0xFFFFFF80  }
0xa6: {  	[tilespmem:s21], [sflag:$0x1] =	stream.indirect.gather [spmem:s1], $0x40, s8, s23, $0xb8;
	[tilespmem:$0x1D580] =	vst v63  }
0xa7: {  	_ =	swait.ge [sflag:s31], $0x2000  }
.Ltmp1:
0xa8: {  	[sflag:s31] =	ssyncset.done $0x0;
	(pc) =	sbr.rel @p0 .LBB2_4-.Ltmp1, $4  }
0xa9: {  	[sflag:s31] =	ssyncadd.s32 $0xFFFFE000  }
0xaa: {  	_ =	swait.ge [sflag:s2], $0x80  }
0xab: {  	[sflag:s2] =	ssyncset.done $0x0  }
0xac: {  	s7 =	sadd.s32 $0x180, s7;
	[sflag:s2] =	ssyncadd.s32 $0xFFFFFF80  }
0xad: {  	[tilespmem:s24], [sflag:$0x2] =	stream.indirect.gather [spmem:s1], $0x40, s7, s23, $0xb8;
	[tilespmem:$0x1D580] =	vst v63  }
0xae: {  	_ =	swait.ge [sflag:s25], $0x2000  }
0xaf: {  	[sflag:s25] =	ssyncset.done $0x0  }
0xb0: {  	[sflag:s25] =	ssyncadd.s32 $0xFFFFE000  }
0xb1: {  	[spmem:s3] =	stream.indirect.scatter.add.f32 [tilespmem:s21], [sflag:$0x3], $0x40, s0, s23, $0xb8;
	[tilespmem:$0x1D580] =	vst v63  }
0xb2: {  	_ = 	snop  }
0xb3: {  	[spmem:s4] =	stream.indirect.scatter.add.f32 [tilespmem:s26], [sflag:$0x5], $0x1, s0, s23, $0xb8;
	[tilespmem:$0x1D580] =	vst v63  }
0xb4: {  	_ =	swait.ge [sflag:s28], $0x2000  }
0xb5: {  	[sflag:s28] =	ssyncset.done $0x0  }
0xb6: {  	[sflag:s28] =	ssyncadd.s32 $0xFFFFE000  }
0xb7: {  	[spmem:s3] =	stream.indirect.scatter.add.f32 [tilespmem:s24], [sflag:$0x4], $0x40, s19, s23, $0xb8;
	[tilespmem:$0x1D580] =	vst v63  }
0xb8: {  	_ = 	snop  }
0xb9: {  	[spmem:s4] =	stream.indirect.scatter.add.f32 [tilespmem:s26], [sflag:$0x6], $0x1, s19, s23, $0xb8;
	[tilespmem:$0x1D580] =	vst v63  }
0xba: {  	_ =	swait.ge [sflag:s29], $0x2000  }
0xbb: {  	[sflag:s29] =	ssyncset.done $0x0  }
0xbc: {  	[sflag:s29] =	ssyncadd.s32 $0xFFFFE000  }
0xbd: {  	_ =	swait.ge [sflag:s30], $0x80  }
0xbe: {  	[sflag:s30] =	ssyncset.done $0x0  }
0xbf: {  	[sflag:s30] =	ssyncadd.s32 $0xFFFFFF80  }
0xc0: {  	_ =	swait.ge [sflag:s31], $0x2000  }
0xc1: {  	[sflag:s31] =	ssyncset.done $0x0  }
0xc2: {  	[sflag:s31] =	ssyncadd.s32 $0xFFFFE000  }
0xc3: {  	_ =	swait.ge [sflag:s2], $0x80  }
0xc4: {  	[sflag:s2] =	ssyncset.done $0x0  }
0xc5: {  	[sflag:s2] =	ssyncadd.s32 $0xFFFFFF80  }
0xc6: {  	s6 =	sshrl.u32 s9, $0x3;
	[bflag:$0x0] =	sbarrier.arrive $0xFFFF  }
0xc7: {  	[hbm:s15], [sflag:s22] =	dma.local [spmem:s6], $0x1400  }
0xc8: {  	s5 =	sadd.s32 $0x1, s5;
	_ =	swait.ge [sflag:s18], $0x1400  }
0xc9: {  	p0 =	sne.s32 s5, s17;
	[sflag:s18] =	ssyncset.done $0x0  }
.Ltmp2:
0xca: {  	s8 =	sshrl.u32 s14, $0x3;
	[sflag:s18] =	ssyncadd.s32 $0xFFFFEC00;
	(pc) =	sbr.rel @p0 .LBB2_1-.Ltmp2, $4  }
0xcb: {  	[hbm:s16], [sflag:s22] =	dma.local [spmem:s8], $0x50  }
0xcc: {  	_ =	swait.ge [sflag:s18], $0x50  }
0xcd: {  	[sflag:s18] =	ssyncset.done $0x0  }
0xce: {  	[sflag:s18] =	ssyncadd.s32 $0xFFFFFFB0  }
0xcf: {  	_ =	sfence.sel $0x180000  }
0xd0: {  	[bflag:$0x0] =	sbarrier.arrive $0xFFFF  }
0xd1: {  	_ =	strace $0x90000047  }
0xd2: {  	s0 =	stileid.u32;
	[bflag:$0x2] =	sbarrier.arrive $0xFFFF  }
0xd3: {  	p0 =	sne.s32 s0, $0x0;
	s0 =	rddreg [dreg:$0x4]  }
0xd4: {  	s0 =	sadd.s32 @!p0 $0x100000, s0  }
0xd5: {  	[sflag:s0] =	ssyncadd.tile.s32 @!p0 $0x1;
	_ =	shalt  }
.Lfunc_end2:
_tile_overlayer_lowered:
.L_overlay_start_2:
0xd6: {  	(tag) =	ssettag $0x2  }
0xd7: {  	s0 =	rddreg [dreg:$0x0];
	s2 =	stileid.u32  }
0xd8: {  	s1 =	rddreg [dreg:$0x1];
	p0 =	sne.s32 s2, $0x0  }
0xd9: {  	s3 =	rddreg [dreg:$0x2];
	[bflag:$0x3] =	sbarrier.arrive $0xFFFF;
	s2 =	simm.s32 @!p0 $0x1C07  }
0xda: {  	[timem:s3], [sflag:s2] =	dma.local @!p0 [hbm:s0], s1  }
0xdb: {  	s0 =	simm.s32 @!p0 $0x7  }
0xdc: {  	_ =	swait.ge @!p0 [sflag:s0], s1  }
0xdd: {  	s1 =	ssub.s32 @!p0 $0x0, s1;
	[sflag:s0] =	ssyncset.done @!p0 $0x0  }
0xde: {  	[sflag:s0] =	ssyncadd.s32 @!p0 s1  }
0xdf: {  	[bflag:$0x3] =	sbarrier.arrive $0xFFFF  }
0xe0: {  	_ =	shalt  }

</sc_bundles>
